<compile_context>
chip_gen: v7x
topology: tpu7x:2x2x1
jax: 0.10.2.dev20260603
libtpu: 0.0.44.dev20260713+nightly
codegen_flags: <defaults>
</compile_context>

<pallas_src>
import jax
import jax.numpy as jnp
from jax import lax
from jax.experimental import pallas as pl
from jax.experimental.pallas import tpu as pltpu
from jax.experimental.pallas import tpu_sc as plsc

D = 128
N = 10000
E = 320000
NP = 10240
NC = 2
NS = 16
NW = NC * NS
EPW = E // NW
CHUNK = 80
NCHUNK = EPW // CHUNK
RPT = NP // NS
EPT = E // NS
BLK = 2000


def _mesh():
    return plsc.VectorSubcoreMesh(
        core_axis_name="c", subcore_axis_name="s", num_cores=NC, num_subcores=NS
    )


DH = D // 2


def _mlp_body(z_ref, w1_ref, b1_ref, w2_ref, b2_ref, out0_ref, out1_ref):
    h = jnp.maximum(
        jnp.dot(z_ref[...], w1_ref[...], preferred_element_type=jnp.float32)
        + b1_ref[...],
        0.0,
    )
    m = jnp.dot(h, w2_ref[...], preferred_element_type=jnp.float32) + b2_ref[...]
    out0_ref[...] = m[:, :DH]
    out1_ref[...] = m[:, DH:]


def _mlp(z, W1, b1, W2, b2):
    return pl.pallas_call(
        _mlp_body,
        grid=(N // BLK,),
        in_specs=[
            pl.BlockSpec((BLK, D), lambda i: (i, 0)),
            pl.BlockSpec((D, D), lambda i: (0, 0)),
            pl.BlockSpec((1, D), lambda i: (0, 0)),
            pl.BlockSpec((D, D), lambda i: (0, 0)),
            pl.BlockSpec((1, D), lambda i: (0, 0)),
        ],
        out_specs=[
            pl.BlockSpec((BLK, DH), lambda i: (i, 0)),
            pl.BlockSpec((BLK, DH), lambda i: (i, 0)),
        ],
        out_shape=[
            jax.ShapeDtypeStruct((N, DH), jnp.float32),
            jax.ShapeDtypeStruct((N, DH), jnp.float32),
        ],
    )(z, W1, b1, W2, b2)


NCH2 = EPT // CHUNK


def _scatter_body(
    e4_hbm, m0_hbm, m1_hbm, znd_hbm, zn_hbm,
    agg_out, alpha_hbm, rdeg_hbm,
    src_v, dst_v, rows0_v, rows1_v, ones_v, ldeg_v, alpha_v,
    agg_sh, deg_sh, gs0, gs1, ss0, ss1, ds0,
):
    cid = lax.axis_index("c")
    sid = lax.axis_index("s")
    wid = sid * NC + cid

    pltpu.sync_copy(e4_hbm.at[0, sid], src_v)
    pltpu.sync_copy(e4_hbm.at[1, sid], dst_v)
    pltpu.sync_copy(znd_hbm.at[pl.ds(sid * RPT, RPT)], agg_sh.at[pl.ds(sid * RPT, RPT)])
    pltpu.sync_copy(zn_hbm.at[pl.ds(sid * RPT, RPT)], deg_sh.at[pl.ds(sid * RPT, RPT)])
    for i in range(CHUNK // 16):
        ones_v[pl.ds(i * 16, 16)] = jnp.full((16,), 1.0, jnp.float32)
    plsc.subcore_barrier()

    def d_start(j):
        pltpu.async_copy(ones_v, deg_sh.at[src_v.at[j]], ds0, add=True)

    def _run(mh):
        def g_start(j, buf, gs):
            pltpu.async_copy(mh.at[dst_v.at[j]], buf, gs)

        def g_wait(j, buf, gs):
            pltpu.make_async_copy(mh.at[dst_v.at[j]], buf, gs).wait()

        def s_start(j, buf, ss):
            pltpu.async_copy(buf, agg_sh.at[src_v.at[j]], ss, add=True)

        def s_wait(j, buf, ss):
            pltpu.make_async_copy(buf, agg_sh.at[src_v.at[j]], ss).wait()

        g_start(0, rows0_v, gs0)
        g_start(1, rows1_v, gs1)

        @pl.loop(0, NCH2 - 4, step=2)
        def _chunk(j):
            g_wait(j, rows0_v, gs0)
            s_start(j, rows0_v, ss0)
            g_wait(j + 1, rows1_v, gs1)
            s_start(j + 1, rows1_v, ss1)
            d_start(j)
            d_start(j + 1)
            s_wait(j, rows0_v, ss0)
            g_start(j + 2, rows0_v, gs0)
            s_wait(j + 1, rows1_v, ss1)
            g_start(j + 3, rows1_v, gs1)

        ja = NCH2 - 4
        g_wait(ja, rows0_v, gs0)
        s_start(ja, rows0_v, ss0)
        g_wait(ja + 1, rows1_v, gs1)
        s_start(ja + 1, rows1_v, ss1)
        s_wait(ja, rows0_v, ss0)
        g_start(ja + 2, rows0_v, gs0)
        s_wait(ja + 1, rows1_v, ss1)
        g_start(ja + 3, rows1_v, gs1)
        g_wait(ja + 2, rows0_v, gs0)
        s_start(ja + 2, rows0_v, ss0)
        g_wait(ja + 3, rows1_v, gs1)
        s_start(ja + 3, rows1_v, ss1)
        d_start(ja)
        d_start(ja + 1)
        d_start(ja + 2)
        d_start(ja + 3)
        s_wait(ja + 2, rows0_v, ss0)
        s_wait(ja + 3, rows1_v, ss1)

        pltpu.make_async_copy(e4_hbm.at[0, sid], src_v, ds0).wait()

    @pl.when(cid == 0)
    def _():
        _run(m0_hbm)

    @pl.when(cid == 1)
    def _():
        _run(m1_hbm)

    plsc.subcore_barrier()
    pltpu.sync_copy(
        agg_sh.at[pl.ds(sid * RPT, RPT)],
        agg_out.at[pl.ds(sid * RPT, RPT), pl.ds(cid * DH, DH)],
    )

    pltpu.sync_copy(deg_sh, ldeg_v)

    @pl.loop(0, NP // 16)
    def _r(c):
        o = pl.ds(c * 16, 16)
        ldeg_v[o] = 1.0 / (ldeg_v[o] + 1e-12)

    @pl.when(cid == 0)
    def _():
        pltpu.sync_copy(ldeg_v.at[pl.ds(sid * RPT, RPT)], rdeg_hbm.at[pl.ds(sid * RPT, RPT)])

    @pl.loop(0, NCHUNK)
    def _g(j2):
        for k in range(CHUNK // 16):
            idx = src_v[cid * NCHUNK + j2, pl.ds(k * 16, 16)]
            alpha_v[pl.ds(j2 * CHUNK + k * 16, 16)] = plsc.load_gather(ldeg_v, [idx])

    pltpu.sync_copy(alpha_v, alpha_hbm.at[pl.ds(wid * EPW, EPW)])


def _scatter(e4, m0, m1, zeros_nd, zeros_n):
    f = pl.kernel(
        _scatter_body,
        out_type=(
            jax.ShapeDtypeStruct((NP, D), jnp.float32),
            jax.ShapeDtypeStruct((E,), jnp.float32),
            jax.ShapeDtypeStruct((NP,), jnp.float32),
        ),
        mesh=_mesh(),
        scratch_types=[
            pltpu.VMEM((NCH2, CHUNK), jnp.int32),
            pltpu.VMEM((NCH2, CHUNK), jnp.int32),
            pltpu.VMEM((CHUNK, DH), jnp.float32),
            pltpu.VMEM((CHUNK, DH), jnp.float32),
            pltpu.VMEM((CHUNK,), jnp.float32),
            pltpu.VMEM((NP,), jnp.float32),
            pltpu.VMEM((EPW,), jnp.float32),
            pltpu.VMEM_SHARED((NP, DH), jnp.float32),
            pltpu.VMEM_SHARED((NP,), jnp.float32),
            pltpu.SemaphoreType.DMA,
            pltpu.SemaphoreType.DMA,
            pltpu.SemaphoreType.DMA,
            pltpu.SemaphoreType.DMA,
            pltpu.SemaphoreType.DMA,
        ],
        compiler_params=pltpu.CompilerParams(
            use_tc_tiling_on_sc=False, needs_layout_passes=False
        ),
    )
    return f(e4, m0, m1, zeros_nd, zeros_n)


def _ln_body(z_ref, agg_ref, rd_ref, g_ref, b_ref, out_ref):
    x = z_ref[...] + agg_ref[...] * rd_ref[...]
    mean = jnp.mean(x, axis=1, keepdims=True)
    xc = x - mean
    var = jnp.mean(xc * xc, axis=1, keepdims=True)
    out_ref[...] = xc * lax.rsqrt(var + 1e-5) * g_ref[...] + b_ref[...]


def _ln(z, agg_p, rdeg, gamma, beta):
    rd = rdeg.reshape(NP, 1)
    return pl.pallas_call(
        _ln_body,
        grid=(N // BLK,),
        in_specs=[
            pl.BlockSpec((BLK, D), lambda i: (i, 0)),
            pl.BlockSpec((BLK, D), lambda i: (i, 0)),
            pl.BlockSpec((BLK, 1), lambda i: (i, 0)),
            pl.BlockSpec((1, D), lambda i: (0, 0)),
            pl.BlockSpec((1, D), lambda i: (0, 0)),
        ],
        out_specs=pl.BlockSpec((BLK, D), lambda i: (i, 0)),
        out_shape=jax.ShapeDtypeStruct((N, D), jnp.float32),
    )(z, agg_p, rd, gamma, beta)


def kernel(z, edge_index, W1, b1, W2, b2, gamma, beta):
    e4 = edge_index.astype(jnp.int32).reshape(2, NS, NCH2, CHUNK)
    zeros_nd = jnp.zeros((NP, DH), jnp.float32)
    zeros_n = jnp.zeros((NP,), jnp.float32)

    m0, m1 = _mlp(z, W1, b1.reshape(1, D), W2, b2.reshape(1, D))
    agg_p, alpha, rdeg = _scatter(e4, m0, m1, zeros_nd, zeros_n)
    out = _ln(z, agg_p, rdeg, gamma.reshape(1, D), beta.reshape(1, D))
    return (out, alpha)

# --- scband reference (transcript-rebuilt; emitter-appended) ---
"""Pipeline reference for scband-fixed-uniform-weight-gnn-38878043964036 (READ-ONLY COPY).

The authoritative reference and input builder live on the scoring server;
editing this copy changes nothing except your own understanding.
"""

import jax, jax.numpy as jnp
import numpy as np

DIM = 128
N_NODES = 10000
N_EDGES = 320000


def setup_inputs(seed: int = 0) -> dict:
    key = jax.random.key(seed)
    k_z, k_ei, k_w1, k_b1, k_w2, k_b2 = jax.random.split(key, 6)
    z = jax.random.normal(k_z, (N_NODES, DIM), dtype=jnp.float32)
    edge_index = jax.random.randint(k_ei, (2, N_EDGES), 0, N_NODES, dtype=jnp.int64)
    s = 1.0 / np.sqrt(DIM)
    W1 = jax.random.uniform(k_w1, (DIM, DIM), minval=-s, maxval=s, dtype=jnp.float32)
    b1 = jax.random.uniform(k_b1, (DIM,), minval=-s, maxval=s, dtype=jnp.float32)
    W2 = jax.random.uniform(k_w2, (DIM, DIM), minval=-s, maxval=s, dtype=jnp.float32)
    b2 = jax.random.uniform(k_b2, (DIM,), minval=-s, maxval=s, dtype=jnp.float32)
    gamma = jnp.ones((DIM,), dtype=jnp.float32)
    beta = jnp.zeros((DIM,), dtype=jnp.float32)
    return {"z": z, "edge_index": edge_index, "W1": W1, "b1": b1, "W2": W2, "b2": b2, "gamma": gamma, "beta": beta}


def reference(z, edge_index, W1, b1, W2, b2, gamma, beta):
    # Eval mode: dropout is identity.
    src = edge_index[0]
    dst = edge_index[1]
    zj = jnp.take(z, dst, axis=0)
    N = z.shape[0]
    deg = jnp.zeros((N,), dtype=z.dtype).at[src].add(jnp.ones((src.shape[0],), dtype=z.dtype))
    alpha = 1.0 / (jnp.take(deg, src, axis=0) + 1e-12)
    h = jnp.maximum(zj @ W1 + b1, 0.0)
    msg = (h @ W2 + b2) * alpha[:, None]
    agg = jnp.zeros_like(z).at[src].add(msg)
    x = z + agg
    mean = jnp.mean(x, axis=-1, keepdims=True)
    var = jnp.var(x, axis=-1, keepdims=True)
    out = (x - mean) / jnp.sqrt(var + 1e-5) * gamma + beta
    return (out, alpha)

if __name__ == "__main__":
    import jax
    _d = setup_inputs()
    print(jax.jit(kernel)(*tuple(_d.values())))

</pallas_src>

<mosaic_0001>
#map = affine_map<(d0, d1) -> (0, 0, 0, 0)>
#map1 = affine_map<(d0, d1) -> (0, 0)>
#map2 = affine_map<(d0, d1) -> (0)>
module attributes {stable_mosaic.version = 14 : i64} {
  func.func @_scatter_body(%arg0: i32, %arg1: i32, %arg2: memref<2x16x250x80xi32, #tpu.memory_space<hbm>>, %arg3: memref<10000x64xf32, #tpu.memory_space<hbm>>, %arg4: memref<10000x64xf32, #tpu.memory_space<hbm>>, %arg5: memref<10240x64xf32, #tpu.memory_space<hbm>>, %arg6: memref<10240xf32, #tpu.memory_space<hbm>>, %arg7: memref<10240x128xf32, #tpu.memory_space<hbm>>, %arg8: memref<320000xf32, #tpu.memory_space<hbm>>, %arg9: memref<10240xf32, #tpu.memory_space<hbm>>, %arg10: memref<250x80xi32, #tpu.memory_space<vmem>>, %arg11: memref<250x80xi32, #tpu.memory_space<vmem>>, %arg12: memref<80x64xf32, #tpu.memory_space<vmem>>, %arg13: memref<80x64xf32, #tpu.memory_space<vmem>>, %arg14: memref<80xf32, #tpu.memory_space<vmem>>, %arg15: memref<10240xf32, #tpu.memory_space<vmem>>, %arg16: memref<10000xf32, #tpu.memory_space<vmem>>, %arg17: memref<10240x64xf32, #tpu.memory_space<vmem_shared>>, %arg18: memref<10240xf32, #tpu.memory_space<vmem_shared>>, %arg19: memref<!tpu.dma_semaphore, #tpu.memory_space<semaphore_mem>>, %arg20: memref<!tpu.dma_semaphore, #tpu.memory_space<semaphore_mem>>, %arg21: memref<!tpu.dma_semaphore, #tpu.memory_space<semaphore_mem>>, %arg22: memref<!tpu.dma_semaphore, #tpu.memory_space<semaphore_mem>>, %arg23: memref<!tpu.dma_semaphore, #tpu.memory_space<semaphore_mem>>) attributes {dimension_semantics = [#tpu.dimension_semantics<core_parallel>, #tpu.dimension_semantics<subcore_parallel>], iteration_bounds = array<i64: 2, 16>, scalar_prefetch = 0 : i64, scratch_operands = 14 : i64, tpu.core_type = #tpu.core_type<sc_vector_subcore>, window_params = [{transform_indices = #map}, {transform_indices = #map1}, {transform_indices = #map1}, {transform_indices = #map1}, {transform_indices = #map2}, {transform_indices = #map1}, {transform_indices = #map2}, {transform_indices = #map2}]} {
    %mul3A = arith.constant 2 : i32
    %mul3A_0 = arith.muli %arg1, %mul3A : i32
    %add3A = arith.addi %mul3A_0, %arg0 : i32
    %run_scoped3A = arith.constant 0 : i32
    "tpu.region"() ({
      %run_scoped3A_58 = tpu.sem_alloc : memref<!tpu.dma_semaphore, #tpu.memory_space<semaphore_mem>>
      %dma_start3A = arith.constant 0 : i32
      %dma_start3A_59 = arith.constant 0 : i32
      %dma_start3A_60 = tpu.memref_slice %arg2[%run_scoped3A, %arg1, %dma_start3A, %dma_start3A_59] : memref<2x16x250x80xi32, #tpu.memory_space<hbm>> -> memref<1x1x250x80xi32, #tpu.memory_space<hbm>>
      %dma_start3A_61 = tpu.memref_squeeze %dma_start3A_60 : memref<1x1x250x80xi32, #tpu.memory_space<hbm>> -> memref<250x80xi32, #tpu.memory_space<hbm>>
      %dma_start3A_62 = arith.constant 0 : i32
      %dma_start3A_63 = arith.constant 0 : i32
      %dma_start3A_64 = tpu.memref_slice %arg2[%run_scoped3A, %arg1, %dma_start3A_62, %dma_start3A_63] : memref<2x16x250x80xi32, #tpu.memory_space<hbm>> -> memref<1x1x250x80xi32, #tpu.memory_space<hbm>>
      %dma_start3A_65 = tpu.memref_squeeze %dma_start3A_64 : memref<1x1x250x80xi32, #tpu.memory_space<hbm>> -> memref<250x80xi32, #tpu.memory_space<hbm>>
      tpu.enqueue_dma source(%dma_start3A_65 : memref<250x80xi32, #tpu.memory_space<hbm>>) target(%arg10 : memref<250x80xi32, #tpu.memory_space<vmem>>) target_semaphore(%run_scoped3A_58 : memref<!tpu.dma_semaphore, #tpu.memory_space<semaphore_mem>>)
      %dma_wait3A = arith.constant 0 : i32
      %dma_wait3A_66 = arith.constant 0 : i32
      %dma_wait3A_67 = tpu.memref_slice %arg2[%run_scoped3A, %arg1, %dma_wait3A, %dma_wait3A_66] : memref<2x16x250x80xi32, #tpu.memory_space<hbm>> -> memref<1x1x250x80xi32, #tpu.memory_space<hbm>>
      %dma_wait3A_68 = tpu.memref_squeeze %dma_wait3A_67 : memref<1x1x250x80xi32, #tpu.memory_space<hbm>> -> memref<250x80xi32, #tpu.memory_space<hbm>>
      %dma_wait3A_69 = arith.constant 0 : i32
      %dma_wait3A_70 = arith.constant 0 : i32
      %dma_wait3A_71 = tpu.memref_slice %arg2[%run_scoped3A, %arg1, %dma_wait3A_69, %dma_wait3A_70] : memref<2x16x250x80xi32, #tpu.memory_space<hbm>> -> memref<1x1x250x80xi32, #tpu.memory_space<hbm>>
      %dma_wait3A_72 = tpu.memref_squeeze %dma_wait3A_71 : memref<1x1x250x80xi32, #tpu.memory_space<hbm>> -> memref<250x80xi32, #tpu.memory_space<hbm>>
      tpu.wait_dma2 semaphore(%run_scoped3A_58 : memref<!tpu.dma_semaphore, #tpu.memory_space<semaphore_mem>>) src(%dma_wait3A_72 : memref<250x80xi32, #tpu.memory_space<hbm>>) dst(%arg10 : memref<250x80xi32, #tpu.memory_space<vmem>>)
      tpu.yield
    }) : () -> ()
    %run_scoped3A_1 = arith.constant 1 : i32
    "tpu.region"() ({
      %run_scoped3A_58 = tpu.sem_alloc : memref<!tpu.dma_semaphore, #tpu.memory_space<semaphore_mem>>
      %dma_start3A = arith.constant 0 : i32
      %dma_start3A_59 = arith.constant 0 : i32
      %dma_start3A_60 = tpu.memref_slice %arg2[%run_scoped3A_1, %arg1, %dma_start3A, %dma_start3A_59] : memref<2x16x250x80xi32, #tpu.memory_space<hbm>> -> memref<1x1x250x80xi32, #tpu.memory_space<hbm>>
      %dma_start3A_61 = tpu.memref_squeeze %dma_start3A_60 : memref<1x1x250x80xi32, #tpu.memory_space<hbm>> -> memref<250x80xi32, #tpu.memory_space<hbm>>
      %dma_start3A_62 = arith.constant 0 : i32
      %dma_start3A_63 = arith.constant 0 : i32
      %dma_start3A_64 = tpu.memref_slice %arg2[%run_scoped3A_1, %arg1, %dma_start3A_62, %dma_start3A_63] : memref<2x16x250x80xi32, #tpu.memory_space<hbm>> -> memref<1x1x250x80xi32, #tpu.memory_space<hbm>>
      %dma_start3A_65 = tpu.memref_squeeze %dma_start3A_64 : memref<1x1x250x80xi32, #tpu.memory_space<hbm>> -> memref<250x80xi32, #tpu.memory_space<hbm>>
      tpu.enqueue_dma source(%dma_start3A_65 : memref<250x80xi32, #tpu.memory_space<hbm>>) target(%arg11 : memref<250x80xi32, #tpu.memory_space<vmem>>) target_semaphore(%run_scoped3A_58 : memref<!tpu.dma_semaphore, #tpu.memory_space<semaphore_mem>>)
      %dma_wait3A = arith.constant 0 : i32
      %dma_wait3A_66 = arith.constant 0 : i32
      %dma_wait3A_67 = tpu.memref_slice %arg2[%run_scoped3A_1, %arg1, %dma_wait3A, %dma_wait3A_66] : memref<2x16x250x80xi32, #tpu.memory_space<hbm>> -> memref<1x1x250x80xi32, #tpu.memory_space<hbm>>
      %dma_wait3A_68 = tpu.memref_squeeze %dma_wait3A_67 : memref<1x1x250x80xi32, #tpu.memory_space<hbm>> -> memref<250x80xi32, #tpu.memory_space<hbm>>
      %dma_wait3A_69 = arith.constant 0 : i32
      %dma_wait3A_70 = arith.constant 0 : i32
      %dma_wait3A_71 = tpu.memref_slice %arg2[%run_scoped3A_1, %arg1, %dma_wait3A_69, %dma_wait3A_70] : memref<2x16x250x80xi32, #tpu.memory_space<hbm>> -> memref<1x1x250x80xi32, #tpu.memory_space<hbm>>
      %dma_wait3A_72 = tpu.memref_squeeze %dma_wait3A_71 : memref<1x1x250x80xi32, #tpu.memory_space<hbm>> -> memref<250x80xi32, #tpu.memory_space<hbm>>
      tpu.wait_dma2 semaphore(%run_scoped3A_58 : memref<!tpu.dma_semaphore, #tpu.memory_space<semaphore_mem>>) src(%dma_wait3A_72 : memref<250x80xi32, #tpu.memory_space<hbm>>) dst(%arg11 : memref<250x80xi32, #tpu.memory_space<vmem>>)
      tpu.yield
    }) : () -> ()
    %mul3A_2 = arith.constant 640 : i32
    %mul3A_3 = arith.muli %arg1, %mul3A_2 : i32
    %mul3A_4 = arith.constant 640 : i32
    %mul3A_5 = arith.muli %arg1, %mul3A_4 : i32
    "tpu.region"() ({
      %run_scoped3A_58 = tpu.sem_alloc : memref<!tpu.dma_semaphore, #tpu.memory_space<semaphore_mem>>
      %dma_start3A = arith.constant 0 : i32
      %dma_start3A_59 = tpu.memref_slice %arg17[%mul3A_5, %dma_start3A] : memref<10240x64xf32, #tpu.memory_space<vmem_shared>> -> memref<640x64xf32, #tpu.memory_space<vmem_shared>>
      %dma_start3A_60 = arith.constant 0 : i32
      %dma_start3A_61 = tpu.memref_slice %arg5[%mul3A_3, %dma_start3A_60] : memref<10240x64xf32, #tpu.memory_space<hbm>> -> memref<640x64xf32, #tpu.memory_space<hbm>>
      tpu.enqueue_dma source(%dma_start3A_61 : memref<640x64xf32, #tpu.memory_space<hbm>>) target(%dma_start3A_59 : memref<640x64xf32, #tpu.memory_space<vmem_shared>>) target_semaphore(%run_scoped3A_58 : memref<!tpu.dma_semaphore, #tpu.memory_space<semaphore_mem>>)
      %dma_wait3A = arith.constant 0 : i32
      %dma_wait3A_62 = tpu.memref_slice %arg17[%mul3A_5, %dma_wait3A] : memref<10240x64xf32, #tpu.memory_space<vmem_shared>> -> memref<640x64xf32, #tpu.memory_space<vmem_shared>>
      %dma_wait3A_63 = arith.constant 0 : i32
      %dma_wait3A_64 = tpu.memref_slice %arg5[%mul3A_3, %dma_wait3A_63] : memref<10240x64xf32, #tpu.memory_space<hbm>> -> memref<640x64xf32, #tpu.memory_space<hbm>>
      tpu.wait_dma2 semaphore(%run_scoped3A_58 : memref<!tpu.dma_semaphore, #tpu.memory_space<semaphore_mem>>) src(%dma_wait3A_64 : memref<640x64xf32, #tpu.memory_space<hbm>>) dst(%dma_wait3A_62 : memref<640x64xf32, #tpu.memory_space<vmem_shared>>)
      tpu.yield
    }) : () -> ()
    %mul3A_6 = arith.constant 640 : i32
    %mul3A_7 = arith.muli %arg1, %mul3A_6 : i32
    %mul3A_8 = arith.constant 640 : i32
    %mul3A_9 = arith.muli %arg1, %mul3A_8 : i32
    "tpu.region"() ({
      %run_scoped3A_58 = tpu.sem_alloc : memref<!tpu.dma_semaphore, #tpu.memory_space<semaphore_mem>>
      %dma_start3A = tpu.memref_slice %arg18[%mul3A_9] : memref<10240xf32, #tpu.memory_space<vmem_shared>> -> memref<640xf32, #tpu.memory_space<vmem_shared>>
      %dma_start3A_59 = tpu.memref_slice %arg6[%mul3A_7] : memref<10240xf32, #tpu.memory_space<hbm>> -> memref<640xf32, #tpu.memory_space<hbm>>
      tpu.enqueue_dma source(%dma_start3A_59 : memref<640xf32, #tpu.memory_space<hbm>>) target(%dma_start3A : memref<640xf32, #tpu.memory_space<vmem_shared>>) target_semaphore(%run_scoped3A_58 : memref<!tpu.dma_semaphore, #tpu.memory_space<semaphore_mem>>)
      %dma_wait3A = tpu.memref_slice %arg18[%mul3A_9] : memref<10240xf32, #tpu.memory_space<vmem_shared>> -> memref<640xf32, #tpu.memory_space<vmem_shared>>
      %dma_wait3A_60 = tpu.memref_slice %arg6[%mul3A_7] : memref<10240xf32, #tpu.memory_space<hbm>> -> memref<640xf32, #tpu.memory_space<hbm>>
      tpu.wait_dma2 semaphore(%run_scoped3A_58 : memref<!tpu.dma_semaphore, #tpu.memory_space<semaphore_mem>>) src(%dma_wait3A_60 : memref<640xf32, #tpu.memory_space<hbm>>) dst(%dma_wait3A : memref<640xf32, #tpu.memory_space<vmem_shared>>)
      tpu.yield
    }) : () -> ()
    %broadcast_in_dim3A = arith.constant 1.000000e+00 : f32
    %broadcast_in_dim3A_10 = vector.broadcast %broadcast_in_dim3A : f32 to vector<16xf32>
    %swap3A = arith.constant 0 : index
    %swap3A_11 = tpu.vector_load %arg14[%swap3A] {strides = array<i32>} : memref<80xf32, #tpu.memory_space<vmem>>, vector<16xf32>,
    tpu.vector_store %arg14[%swap3A], %broadcast_in_dim3A_10 {strides = array<i32>} : memref<80xf32, #tpu.memory_space<vmem>>, vector<16xf32>,
    %broadcast_in_dim3A_12 = arith.constant 1.000000e+00 : f32
    %broadcast_in_dim3A_13 = vector.broadcast %broadcast_in_dim3A_12 : f32 to vector<16xf32>
    %swap3A_14 = arith.constant 16 : index
    %swap3A_15 = tpu.vector_load %arg14[%swap3A_14] {strides = array<i32>} : memref<80xf32, #tpu.memory_space<vmem>>, vector<16xf32>,
    tpu.vector_store %arg14[%swap3A_14], %broadcast_in_dim3A_13 {strides = array<i32>} : memref<80xf32, #tpu.memory_space<vmem>>, vector<16xf32>,
    %broadcast_in_dim3A_16 = arith.constant 1.000000e+00 : f32
    %broadcast_in_dim3A_17 = vector.broadcast %broadcast_in_dim3A_16 : f32 to vector<16xf32>
    %swap3A_18 = arith.constant 32 : index
    %swap3A_19 = tpu.vector_load %arg14[%swap3A_18] {strides = array<i32>} : memref<80xf32, #tpu.memory_space<vmem>>, vector<16xf32>,
    tpu.vector_store %arg14[%swap3A_18], %broadcast_in_dim3A_17 {strides = array<i32>} : memref<80xf32, #tpu.memory_space<vmem>>, vector<16xf32>,
    %broadcast_in_dim3A_20 = arith.constant 1.000000e+00 : f32
    %broadcast_in_dim3A_21 = vector.broadcast %broadcast_in_dim3A_20 : f32 to vector<16xf32>
    %swap3A_22 = arith.constant 48 : index
    %swap3A_23 = tpu.vector_load %arg14[%swap3A_22] {strides = array<i32>} : memref<80xf32, #tpu.memory_space<vmem>>, vector<16xf32>,
    tpu.vector_store %arg14[%swap3A_22], %broadcast_in_dim3A_21 {strides = array<i32>} : memref<80xf32, #tpu.memory_space<vmem>>, vector<16xf32>,
    %broadcast_in_dim3A_24 = arith.constant 1.000000e+00 : f32
    %broadcast_in_dim3A_25 = vector.broadcast %broadcast_in_dim3A_24 : f32 to vector<16xf32>
    %swap3A_26 = arith.constant 64 : index
    %swap3A_27 = tpu.vector_load %arg14[%swap3A_26] {strides = array<i32>} : memref<80xf32, #tpu.memory_space<vmem>>, vector<16xf32>,
    tpu.vector_store %arg14[%swap3A_26], %broadcast_in_dim3A_25 {strides = array<i32>} : memref<80xf32, #tpu.memory_space<vmem>>, vector<16xf32>,
    %barrier3A = arith.constant 0 : index
    tpu.barrier barrier_id(%barrier3A)
    %eq3A = arith.constant 0 : i32
    %eq3A_28 = arith.cmpi eq, %arg0, %eq3A : i32
    %convert_element_type3A = arith.extui %eq3A_28 : i1 to i32
    %cond3A = arith.constant 0 : i32
    %cond3A_29 = arith.cmpi ne, %convert_element_type3A, %cond3A : i32
    scf.if %cond3A_29 {
      %dma_start3A = arith.constant 0 : i32
      %dma_start3A_58 = arith.constant 0 : i32
      %dma_start3A_59 = tpu.memref_slice %arg11[%dma_start3A, %dma_start3A_58] : memref<250x80xi32, #tpu.memory_space<vmem>> -> memref<1x80xi32, #tpu.memory_space<vmem>>
      %dma_start3A_60 = tpu.memref_squeeze %dma_start3A_59 : memref<1x80xi32, #tpu.memory_space<vmem>> -> memref<80xi32, #tpu.memory_space<vmem>>
      %dma_start3A_61 = arith.constant 0 : i32
      %dma_start3A_62 = arith.constant 0 : i32
      %dma_start3A_63 = tpu.memref_slice %arg3[%dma_start3A_61, %dma_start3A_62] : memref<10000x64xf32, #tpu.memory_space<hbm>> -> memref<10000x64xf32, #tpu.memory_space<hbm>>
      tpu.enqueue_indirect_dma source(%dma_start3A_63 : memref<10000x64xf32, #tpu.memory_space<hbm>>) target(%arg12 : memref<80x64xf32, #tpu.memory_space<vmem>>) offsets(%dma_start3A_60 : memref<80xi32, #tpu.memory_space<vmem>>) semaphore(%arg19 : memref<!tpu.dma_semaphore, #tpu.memory_space<semaphore_mem>>)
      %dma_start3A_64 = arith.constant 1 : i32
      %dma_start3A_65 = arith.constant 0 : i32
      %dma_start3A_66 = tpu.memref_slice %arg11[%dma_start3A_64, %dma_start3A_65] : memref<250x80xi32, #tpu.memory_space<vmem>> -> memref<1x80xi32, #tpu.memory_space<vmem>>
      %dma_start3A_67 = tpu.memref_squeeze %dma_start3A_66 : memref<1x80xi32, #tpu.memory_space<vmem>> -> memref<80xi32, #tpu.memory_space<vmem>>
      %dma_start3A_68 = arith.constant 0 : i32
      %dma_start3A_69 = arith.constant 0 : i32
      %dma_start3A_70 = tpu.memref_slice %arg3[%dma_start3A_68, %dma_start3A_69] : memref<10000x64xf32, #tpu.memory_space<hbm>> -> memref<10000x64xf32, #tpu.memory_space<hbm>>
      tpu.enqueue_indirect_dma source(%dma_start3A_70 : memref<10000x64xf32, #tpu.memory_space<hbm>>) target(%arg13 : memref<80x64xf32, #tpu.memory_space<vmem>>) offsets(%dma_start3A_67 : memref<80xi32, #tpu.memory_space<vmem>>) semaphore(%arg20 : memref<!tpu.dma_semaphore, #tpu.memory_space<semaphore_mem>>)
      %scan3A_71 = arith.constant 0 : i32
      %scan3A_72 = arith.constant 123 : i32
      %scan3A_73 = arith.addi %scan3A_71, %scan3A_72 : i32
      %scan3A_74 = arith.constant 1 : i32
      scf.for %scan3A_206 = %scan3A_71 to %scan3A_73 step %scan3A_74  : i32 {
        %mul3A_207 = arith.constant 2 : i32
        %mul3A_208 = arith.muli %scan3A_206, %mul3A_207 : i32
        %add3A_209 = arith.constant 0 : i32
        %add3A_210 = arith.addi %add3A_209, %mul3A_208 : i32
        %dma_wait3A_211 = arith.constant 0 : i32
        %dma_wait3A_212 = tpu.memref_slice %arg11[%add3A_210, %dma_wait3A_211] : memref<250x80xi32, #tpu.memory_space<vmem>> -> memref<1x80xi32, #tpu.memory_space<vmem>>
        %dma_wait3A_213 = tpu.memref_squeeze %dma_wait3A_212 : memref<1x80xi32, #tpu.memory_space<vmem>> -> memref<80xi32, #tpu.memory_space<vmem>>
        %dma_wait3A_214 = arith.constant 0 : i32
        %dma_wait3A_215 = arith.constant 0 : i32
        %dma_wait3A_216 = tpu.memref_slice %arg3[%dma_wait3A_214, %dma_wait3A_215] : memref<10000x64xf32, #tpu.memory_space<hbm>> -> memref<10000x64xf32, #tpu.memory_space<hbm>>
        tpu.wait_indirect_dma semaphore(%arg19 : memref<!tpu.dma_semaphore, #tpu.memory_space<semaphore_mem>>) src(%dma_wait3A_216 : memref<10000x64xf32, #tpu.memory_space<hbm>>) dst(%arg12 : memref<80x64xf32, #tpu.memory_space<vmem>>)
        %dma_start3A_217 = arith.constant 0 : i32
        %dma_start3A_218 = tpu.memref_slice %arg10[%add3A_210, %dma_start3A_217] : memref<250x80xi32, #tpu.memory_space<vmem>> -> memref<1x80xi32, #tpu.memory_space<vmem>>
        %dma_start3A_219 = tpu.memref_squeeze %dma_start3A_218 : memref<1x80xi32, #tpu.memory_space<vmem>> -> memref<80xi32, #tpu.memory_space<vmem>>
        %dma_start3A_220 = arith.constant 0 : i32
        %dma_start3A_221 = arith.constant 0 : i32
        %dma_start3A_222 = tpu.memref_slice %arg17[%dma_start3A_220, %dma_start3A_221] : memref<10240x64xf32, #tpu.memory_space<vmem_shared>> -> memref<10240x64xf32, #tpu.memory_space<vmem_shared>>
        tpu.enqueue_indirect_dma source(%arg12 : memref<80x64xf32, #tpu.memory_space<vmem>>) target(%dma_start3A_222 : memref<10240x64xf32, #tpu.memory_space<vmem_shared>>) offsets(%dma_start3A_219 : memref<80xi32, #tpu.memory_space<vmem>>) semaphore(%arg21 : memref<!tpu.dma_semaphore, #tpu.memory_space<semaphore_mem>>) {add = true}
        %add3A_223 = arith.constant 1 : i32
        %add3A_224 = arith.addi %add3A_210, %add3A_223 : i32
        %dma_wait3A_225 = arith.constant 0 : i32
        %dma_wait3A_226 = tpu.memref_slice %arg11[%add3A_224, %dma_wait3A_225] : memref<250x80xi32, #tpu.memory_space<vmem>> -> memref<1x80xi32, #tpu.memory_space<vmem>>
        %dma_wait3A_227 = tpu.memref_squeeze %dma_wait3A_226 : memref<1x80xi32, #tpu.memory_space<vmem>> -> memref<80xi32, #tpu.memory_space<vmem>>
        %dma_wait3A_228 = arith.constant 0 : i32
        %dma_wait3A_229 = arith.constant 0 : i32
        %dma_wait3A_230 = tpu.memref_slice %arg3[%dma_wait3A_228, %dma_wait3A_229] : memref<10000x64xf32, #tpu.memory_space<hbm>> -> memref<10000x64xf32, #tpu.memory_space<hbm>>
        tpu.wait_indirect_dma semaphore(%arg20 : memref<!tpu.dma_semaphore, #tpu.memory_space<semaphore_mem>>) src(%dma_wait3A_230 : memref<10000x64xf32, #tpu.memory_space<hbm>>) dst(%arg13 : memref<80x64xf32, #tpu.memory_space<vmem>>)
        %add3A_231 = arith.constant 1 : i32
        %add3A_232 = arith.addi %add3A_210, %add3A_231 : i32
        %dma_start3A_233 = arith.constant 0 : i32
        %dma_start3A_234 = tpu.memref_slice %arg10[%add3A_232, %dma_start3A_233] : memref<250x80xi32, #tpu.memory_space<vmem>> -> memref<1x80xi32, #tpu.memory_space<vmem>>
        %dma_start3A_235 = tpu.memref_squeeze %dma_start3A_234 : memref<1x80xi32, #tpu.memory_space<vmem>> -> memref<80xi32, #tpu.memory_space<vmem>>
        %dma_start3A_236 = arith.constant 0 : i32
        %dma_start3A_237 = arith.constant 0 : i32
        %dma_start3A_238 = tpu.memref_slice %arg17[%dma_start3A_236, %dma_start3A_237] : memref<10240x64xf32, #tpu.memory_space<vmem_shared>> -> memref<10240x64xf32, #tpu.memory_space<vmem_shared>>
        tpu.enqueue_indirect_dma source(%arg13 : memref<80x64xf32, #tpu.memory_space<vmem>>) target(%dma_start3A_238 : memref<10240x64xf32, #tpu.memory_space<vmem_shared>>) offsets(%dma_start3A_235 : memref<80xi32, #tpu.memory_space<vmem>>) semaphore(%arg22 : memref<!tpu.dma_semaphore, #tpu.memory_space<semaphore_mem>>) {add = true}
        %dma_start3A_239 = arith.constant 0 : i32
        %dma_start3A_240 = tpu.memref_slice %arg10[%add3A_210, %dma_start3A_239] : memref<250x80xi32, #tpu.memory_space<vmem>> -> memref<1x80xi32, #tpu.memory_space<vmem>>
        %dma_start3A_241 = tpu.memref_squeeze %dma_start3A_240 : memref<1x80xi32, #tpu.memory_space<vmem>> -> memref<80xi32, #tpu.memory_space<vmem>>
        %dma_start3A_242 = arith.constant 0 : i32
        %dma_start3A_243 = tpu.memref_slice %arg18[%dma_start3A_242] : memref<10240xf32, #tpu.memory_space<vmem_shared>> -> memref<10240xf32, #tpu.memory_space<vmem_shared>>
        tpu.enqueue_indirect_dma source(%arg14 : memref<80xf32, #tpu.memory_space<vmem>>) target(%dma_start3A_243 : memref<10240xf32, #tpu.memory_space<vmem_shared>>) offsets(%dma_start3A_241 : memref<80xi32, #tpu.memory_space<vmem>>) semaphore(%arg23 : memref<!tpu.dma_semaphore, #tpu.memory_space<semaphore_mem>>) {add = true}
        %add3A_244 = arith.constant 1 : i32
        %add3A_245 = arith.addi %add3A_210, %add3A_244 : i32
        %dma_start3A_246 = arith.constant 0 : i32
        %dma_start3A_247 = tpu.memref_slice %arg10[%add3A_245, %dma_start3A_246] : memref<250x80xi32, #tpu.memory_space<vmem>> -> memref<1x80xi32, #tpu.memory_space<vmem>>
        %dma_start3A_248 = tpu.memref_squeeze %dma_start3A_247 : memref<1x80xi32, #tpu.memory_space<vmem>> -> memref<80xi32, #tpu.memory_space<vmem>>
        %dma_start3A_249 = arith.constant 0 : i32
        %dma_start3A_250 = tpu.memref_slice %arg18[%dma_start3A_249] : memref<10240xf32, #tpu.memory_space<vmem_shared>> -> memref<10240xf32, #tpu.memory_space<vmem_shared>>
        tpu.enqueue_indirect_dma source(%arg14 : memref<80xf32, #tpu.memory_space<vmem>>) target(%dma_start3A_250 : memref<10240xf32, #tpu.memory_space<vmem_shared>>) offsets(%dma_start3A_248 : memref<80xi32, #tpu.memory_space<vmem>>) semaphore(%arg23 : memref<!tpu.dma_semaphore, #tpu.memory_space<semaphore_mem>>) {add = true}
        %dma_wait3A_251 = arith.constant 0 : i32
        %dma_wait3A_252 = tpu.memref_slice %arg10[%add3A_210, %dma_wait3A_251] : memref<250x80xi32, #tpu.memory_space<vmem>> -> memref<1x80xi32, #tpu.memory_space<vmem>>
        %dma_wait3A_253 = tpu.memref_squeeze %dma_wait3A_252 : memref<1x80xi32, #tpu.memory_space<vmem>> -> memref<80xi32, #tpu.memory_space<vmem>>
        %dma_wait3A_254 = arith.constant 0 : i32
        %dma_wait3A_255 = arith.constant 0 : i32
        %dma_wait3A_256 = tpu.memref_slice %arg17[%dma_wait3A_254, %dma_wait3A_255] : memref<10240x64xf32, #tpu.memory_space<vmem_shared>> -> memref<10240x64xf32, #tpu.memory_space<vmem_shared>>
        tpu.wait_indirect_dma semaphore(%arg21 : memref<!tpu.dma_semaphore, #tpu.memory_space<semaphore_mem>>) src(%arg12 : memref<80x64xf32, #tpu.memory_space<vmem>>) dst(%dma_wait3A_256 : memref<10240x64xf32, #tpu.memory_space<vmem_shared>>)
        %add3A_257 = arith.constant 2 : i32
        %add3A_258 = arith.addi %add3A_210, %add3A_257 : i32
        %dma_start3A_259 = arith.constant 0 : i32
        %dma_start3A_260 = tpu.memref_slice %arg11[%add3A_258, %dma_start3A_259] : memref<250x80xi32, #tpu.memory_space<vmem>> -> memref<1x80xi32, #tpu.memory_space<vmem>>
        %dma_start3A_261 = tpu.memref_squeeze %dma_start3A_260 : memref<1x80xi32, #tpu.memory_space<vmem>> -> memref<80xi32, #tpu.memory_space<vmem>>
        %dma_start3A_262 = arith.constant 0 : i32
        %dma_start3A_263 = arith.constant 0 : i32
        %dma_start3A_264 = tpu.memref_slice %arg3[%dma_start3A_262, %dma_start3A_263] : memref<10000x64xf32, #tpu.memory_space<hbm>> -> memref<10000x64xf32, #tpu.memory_space<hbm>>
        tpu.enqueue_indirect_dma source(%dma_start3A_264 : memref<10000x64xf32, #tpu.memory_space<hbm>>) target(%arg12 : memref<80x64xf32, #tpu.memory_space<vmem>>) offsets(%dma_start3A_261 : memref<80xi32, #tpu.memory_space<vmem>>) semaphore(%arg19 : memref<!tpu.dma_semaphore, #tpu.memory_space<semaphore_mem>>)
        %add3A_265 = arith.constant 1 : i32
        %add3A_266 = arith.addi %add3A_210, %add3A_265 : i32
        %dma_wait3A_267 = arith.constant 0 : i32
        %dma_wait3A_268 = tpu.memref_slice %arg10[%add3A_266, %dma_wait3A_267] : memref<250x80xi32, #tpu.memory_space<vmem>> -> memref<1x80xi32, #tpu.memory_space<vmem>>
        %dma_wait3A_269 = tpu.memref_squeeze %dma_wait3A_268 : memref<1x80xi32, #tpu.memory_space<vmem>> -> memref<80xi32, #tpu.memory_space<vmem>>
        %dma_wait3A_270 = arith.constant 0 : i32
        %dma_wait3A_271 = arith.constant 0 : i32
        %dma_wait3A_272 = tpu.memref_slice %arg17[%dma_wait3A_270, %dma_wait3A_271] : memref<10240x64xf32, #tpu.memory_space<vmem_shared>> -> memref<10240x64xf32, #tpu.memory_space<vmem_shared>>
        tpu.wait_indirect_dma semaphore(%arg22 : memref<!tpu.dma_semaphore, #tpu.memory_space<semaphore_mem>>) src(%arg13 : memref<80x64xf32, #tpu.memory_space<vmem>>) dst(%dma_wait3A_272 : memref<10240x64xf32, #tpu.memory_space<vmem_shared>>)
        %add3A_273 = arith.constant 3 : i32
        %add3A_274 = arith.addi %add3A_210, %add3A_273 : i32
        %dma_start3A_275 = arith.constant 0 : i32
        %dma_start3A_276 = tpu.memref_slice %arg11[%add3A_274, %dma_start3A_275] : memref<250x80xi32, #tpu.memory_space<vmem>> -> memref<1x80xi32, #tpu.memory_space<vmem>>
        %dma_start3A_277 = tpu.memref_squeeze %dma_start3A_276 : memref<1x80xi32, #tpu.memory_space<vmem>> -> memref<80xi32, #tpu.memory_space<vmem>>
        %dma_start3A_278 = arith.constant 0 : i32
        %dma_start3A_279 = arith.constant 0 : i32
        %dma_start3A_280 = tpu.memref_slice %arg3[%dma_start3A_278, %dma_start3A_279] : memref<10000x64xf32, #tpu.memory_space<hbm>> -> memref<10000x64xf32, #tpu.memory_space<hbm>>
        tpu.enqueue_indirect_dma source(%dma_start3A_280 : memref<10000x64xf32, #tpu.memory_space<hbm>>) target(%arg13 : memref<80x64xf32, #tpu.memory_space<vmem>>) offsets(%dma_start3A_277 : memref<80xi32, #tpu.memory_space<vmem>>) semaphore(%arg20 : memref<!tpu.dma_semaphore, #tpu.memory_space<semaphore_mem>>)
      }
      %scan3A_75 = arith.constant 123 : i32
      %dma_wait3A = arith.constant 246 : i32
      %dma_wait3A_76 = arith.constant 0 : i32
      %dma_wait3A_77 = tpu.memref_slice %arg11[%dma_wait3A, %dma_wait3A_76] : memref<250x80xi32, #tpu.memory_space<vmem>> -> memref<1x80xi32, #tpu.memory_space<vmem>>
      %dma_wait3A_78 = tpu.memref_squeeze %dma_wait3A_77 : memref<1x80xi32, #tpu.memory_space<vmem>> -> memref<80xi32, #tpu.memory_space<vmem>>
      %dma_wait3A_79 = arith.constant 0 : i32
      %dma_wait3A_80 = arith.constant 0 : i32
      %dma_wait3A_81 = tpu.memref_slice %arg3[%dma_wait3A_79, %dma_wait3A_80] : memref<10000x64xf32, #tpu.memory_space<hbm>> -> memref<10000x64xf32, #tpu.memory_space<hbm>>
      tpu.wait_indirect_dma semaphore(%arg19 : memref<!tpu.dma_semaphore, #tpu.memory_space<semaphore_mem>>) src(%dma_wait3A_81 : memref<10000x64xf32, #tpu.memory_space<hbm>>) dst(%arg12 : memref<80x64xf32, #tpu.memory_space<vmem>>)
      %dma_start3A_82 = arith.constant 246 : i32
      %dma_start3A_83 = arith.constant 0 : i32
      %dma_start3A_84 = tpu.memref_slice %arg10[%dma_start3A_82, %dma_start3A_83] : memref<250x80xi32, #tpu.memory_space<vmem>> -> memref<1x80xi32, #tpu.memory_space<vmem>>
      %dma_start3A_85 = tpu.memref_squeeze %dma_start3A_84 : memref<1x80xi32, #tpu.memory_space<vmem>> -> memref<80xi32, #tpu.memory_space<vmem>>
      %dma_start3A_86 = arith.constant 0 : i32
      %dma_start3A_87 = arith.constant 0 : i32
      %dma_start3A_88 = tpu.memref_slice %arg17[%dma_start3A_86, %dma_start3A_87] : memref<10240x64xf32, #tpu.memory_space<vmem_shared>> -> memref<10240x64xf32, #tpu.memory_space<vmem_shared>>
      tpu.enqueue_indirect_dma source(%arg12 : memref<80x64xf32, #tpu.memory_space<vmem>>) target(%dma_start3A_88 : memref<10240x64xf32, #tpu.memory_space<vmem_shared>>) offsets(%dma_start3A_85 : memref<80xi32, #tpu.memory_space<vmem>>) semaphore(%arg21 : memref<!tpu.dma_semaphore, #tpu.memory_space<semaphore_mem>>) {add = true}
      %dma_wait3A_89 = arith.constant 247 : i32
      %dma_wait3A_90 = arith.constant 0 : i32
      %dma_wait3A_91 = tpu.memref_slice %arg11[%dma_wait3A_89, %dma_wait3A_90] : memref<250x80xi32, #tpu.memory_space<vmem>> -> memref<1x80xi32, #tpu.memory_space<vmem>>
      %dma_wait3A_92 = tpu.memref_squeeze %dma_wait3A_91 : memref<1x80xi32, #tpu.memory_space<vmem>> -> memref<80xi32, #tpu.memory_space<vmem>>
      %dma_wait3A_93 = arith.constant 0 : i32
      %dma_wait3A_94 = arith.constant 0 : i32
      %dma_wait3A_95 = tpu.memref_slice %arg3[%dma_wait3A_93, %dma_wait3A_94] : memref<10000x64xf32, #tpu.memory_space<hbm>> -> memref<10000x64xf32, #tpu.memory_space<hbm>>
      tpu.wait_indirect_dma semaphore(%arg20 : memref<!tpu.dma_semaphore, #tpu.memory_space<semaphore_mem>>) src(%dma_wait3A_95 : memref<10000x64xf32, #tpu.memory_space<hbm>>) dst(%arg13 : memref<80x64xf32, #tpu.memory_space<vmem>>)
      %dma_start3A_96 = arith.constant 247 : i32
      %dma_start3A_97 = arith.constant 0 : i32
      %dma_start3A_98 = tpu.memref_slice %arg10[%dma_start3A_96, %dma_start3A_97] : memref<250x80xi32, #tpu.memory_space<vmem>> -> memref<1x80xi32, #tpu.memory_space<vmem>>
      %dma_start3A_99 = tpu.memref_squeeze %dma_start3A_98 : memref<1x80xi32, #tpu.memory_space<vmem>> -> memref<80xi32, #tpu.memory_space<vmem>>
      %dma_start3A_100 = arith.constant 0 : i32
      %dma_start3A_101 = arith.constant 0 : i32
      %dma_start3A_102 = tpu.memref_slice %arg17[%dma_start3A_100, %dma_start3A_101] : memref<10240x64xf32, #tpu.memory_space<vmem_shared>> -> memref<10240x64xf32, #tpu.memory_space<vmem_shared>>
      tpu.enqueue_indirect_dma source(%arg13 : memref<80x64xf32, #tpu.memory_space<vmem>>) target(%dma_start3A_102 : memref<10240x64xf32, #tpu.memory_space<vmem_shared>>) offsets(%dma_start3A_99 : memref<80xi32, #tpu.memory_space<vmem>>) semaphore(%arg22 : memref<!tpu.dma_semaphore, #tpu.memory_space<semaphore_mem>>) {add = true}
      %dma_wait3A_103 = arith.constant 246 : i32
      %dma_wait3A_104 = arith.constant 0 : i32
      %dma_wait3A_105 = tpu.memref_slice %arg10[%dma_wait3A_103, %dma_wait3A_104] : memref<250x80xi32, #tpu.memory_space<vmem>> -> memref<1x80xi32, #tpu.memory_space<vmem>>
      %dma_wait3A_106 = tpu.memref_squeeze %dma_wait3A_105 : memref<1x80xi32, #tpu.memory_space<vmem>> -> memref<80xi32, #tpu.memory_space<vmem>>
      %dma_wait3A_107 = arith.constant 0 : i32
      %dma_wait3A_108 = arith.constant 0 : i32
      %dma_wait3A_109 = tpu.memref_slice %arg17[%dma_wait3A_107, %dma_wait3A_108] : memref<10240x64xf32, #tpu.memory_space<vmem_shared>> -> memref<10240x64xf32, #tpu.memory_space<vmem_shared>>
      tpu.wait_indirect_dma semaphore(%arg21 : memref<!tpu.dma_semaphore, #tpu.memory_space<semaphore_mem>>) src(%arg12 : memref<80x64xf32, #tpu.memory_space<vmem>>) dst(%dma_wait3A_109 : memref<10240x64xf32, #tpu.memory_space<vmem_shared>>)
      %dma_start3A_110 = arith.constant 248 : i32
      %dma_start3A_111 = arith.constant 0 : i32
      %dma_start3A_112 = tpu.memref_slice %arg11[%dma_start3A_110, %dma_start3A_111] : memref<250x80xi32, #tpu.memory_space<vmem>> -> memref<1x80xi32, #tpu.memory_space<vmem>>
      %dma_start3A_113 = tpu.memref_squeeze %dma_start3A_112 : memref<1x80xi32, #tpu.memory_space<vmem>> -> memref<80xi32, #tpu.memory_space<vmem>>
      %dma_start3A_114 = arith.constant 0 : i32
      %dma_start3A_115 = arith.constant 0 : i32
      %dma_start3A_116 = tpu.memref_slice %arg3[%dma_start3A_114, %dma_start3A_115] : memref<10000x64xf32, #tpu.memory_space<hbm>> -> memref<10000x64xf32, #tpu.memory_space<hbm>>
      tpu.enqueue_indirect_dma source(%dma_start3A_116 : memref<10000x64xf32, #tpu.memory_space<hbm>>) target(%arg12 : memref<80x64xf32, #tpu.memory_space<vmem>>) offsets(%dma_start3A_113 : memref<80xi32, #tpu.memory_space<vmem>>) semaphore(%arg19 : memref<!tpu.dma_semaphore, #tpu.memory_space<semaphore_mem>>)
      %dma_wait3A_117 = arith.constant 247 : i32
      %dma_wait3A_118 = arith.constant 0 : i32
      %dma_wait3A_119 = tpu.memref_slice %arg10[%dma_wait3A_117, %dma_wait3A_118] : memref<250x80xi32, #tpu.memory_space<vmem>> -> memref<1x80xi32, #tpu.memory_space<vmem>>
      %dma_wait3A_120 = tpu.memref_squeeze %dma_wait3A_119 : memref<1x80xi32, #tpu.memory_space<vmem>> -> memref<80xi32, #tpu.memory_space<vmem>>
      %dma_wait3A_121 = arith.constant 0 : i32
      %dma_wait3A_122 = arith.constant 0 : i32
      %dma_wait3A_123 = tpu.memref_slice %arg17[%dma_wait3A_121, %dma_wait3A_122] : memref<10240x64xf32, #tpu.memory_space<vmem_shared>> -> memref<10240x64xf32, #tpu.memory_space<vmem_shared>>
      tpu.wait_indirect_dma semaphore(%arg22 : memref<!tpu.dma_semaphore, #tpu.memory_space<semaphore_mem>>) src(%arg13 : memref<80x64xf32, #tpu.memory_space<vmem>>) dst(%dma_wait3A_123 : memref<10240x64xf32, #tpu.memory_space<vmem_shared>>)
      %dma_start3A_124 = arith.constant 249 : i32
      %dma_start3A_125 = arith.constant 0 : i32
      %dma_start3A_126 = tpu.memref_slice %arg11[%dma_start3A_124, %dma_start3A_125] : memref<250x80xi32, #tpu.memory_space<vmem>> -> memref<1x80xi32, #tpu.memory_space<vmem>>
      %dma_start3A_127 = tpu.memref_squeeze %dma_start3A_126 : memref<1x80xi32, #tpu.memory_space<vmem>> -> memref<80xi32, #tpu.memory_space<vmem>>
      %dma_start3A_128 = arith.constant 0 : i32
      %dma_start3A_129 = arith.constant 0 : i32
      %dma_start3A_130 = tpu.memref_slice %arg3[%dma_start3A_128, %dma_start3A_129] : memref<10000x64xf32, #tpu.memory_space<hbm>> -> memref<10000x64xf32, #tpu.memory_space<hbm>>
      tpu.enqueue_indirect_dma source(%dma_start3A_130 : memref<10000x64xf32, #tpu.memory_space<hbm>>) target(%arg13 : memref<80x64xf32, #tpu.memory_space<vmem>>) offsets(%dma_start3A_127 : memref<80xi32, #tpu.memory_space<vmem>>) semaphore(%arg20 : memref<!tpu.dma_semaphore, #tpu.memory_space<semaphore_mem>>)
      %dma_wait3A_131 = arith.constant 248 : i32
      %dma_wait3A_132 = arith.constant 0 : i32
      %dma_wait3A_133 = tpu.memref_slice %arg11[%dma_wait3A_131, %dma_wait3A_132] : memref<250x80xi32, #tpu.memory_space<vmem>> -> memref<1x80xi32, #tpu.memory_space<vmem>>
      %dma_wait3A_134 = tpu.memref_squeeze %dma_wait3A_133 : memref<1x80xi32, #tpu.memory_space<vmem>> -> memref<80xi32, #tpu.memory_space<vmem>>
      %dma_wait3A_135 = arith.constant 0 : i32
      %dma_wait3A_136 = arith.constant 0 : i32
      %dma_wait3A_137 = tpu.memref_slice %arg3[%dma_wait3A_135, %dma_wait3A_136] : memref<10000x64xf32, #tpu.memory_space<hbm>> -> memref<10000x64xf32, #tpu.memory_space<hbm>>
      tpu.wait_indirect_dma semaphore(%arg19 : memref<!tpu.dma_semaphore, #tpu.memory_space<semaphore_mem>>) src(%dma_wait3A_137 : memref<10000x64xf32, #tpu.memory_space<hbm>>) dst(%arg12 : memref<80x64xf32, #tpu.memory_space<vmem>>)
      %dma_start3A_138 = arith.constant 248 : i32
      %dma_start3A_139 = arith.constant 0 : i32
      %dma_start3A_140 = tpu.memref_slice %arg10[%dma_start3A_138, %dma_start3A_139] : memref<250x80xi32, #tpu.memory_space<vmem>> -> memref<1x80xi32, #tpu.memory_space<vmem>>
      %dma_start3A_141 = tpu.memref_squeeze %dma_start3A_140 : memref<1x80xi32, #tpu.memory_space<vmem>> -> memref<80xi32, #tpu.memory_space<vmem>>
      %dma_start3A_142 = arith.constant 0 : i32
      %dma_start3A_143 = arith.constant 0 : i32
      %dma_start3A_144 = tpu.memref_slice %arg17[%dma_start3A_142, %dma_start3A_143] : memref<10240x64xf32, #tpu.memory_space<vmem_shared>> -> memref<10240x64xf32, #tpu.memory_space<vmem_shared>>
      tpu.enqueue_indirect_dma source(%arg12 : memref<80x64xf32, #tpu.memory_space<vmem>>) target(%dma_start3A_144 : memref<10240x64xf32, #tpu.memory_space<vmem_shared>>) offsets(%dma_start3A_141 : memref<80xi32, #tpu.memory_space<vmem>>) semaphore(%arg21 : memref<!tpu.dma_semaphore, #tpu.memory_space<semaphore_mem>>) {add = true}
      %dma_wait3A_145 = arith.constant 249 : i32
      %dma_wait3A_146 = arith.constant 0 : i32
      %dma_wait3A_147 = tpu.memref_slice %arg11[%dma_wait3A_145, %dma_wait3A_146] : memref<250x80xi32, #tpu.memory_space<vmem>> -> memref<1x80xi32, #tpu.memory_space<vmem>>
      %dma_wait3A_148 = tpu.memref_squeeze %dma_wait3A_147 : memref<1x80xi32, #tpu.memory_space<vmem>> -> memref<80xi32, #tpu.memory_space<vmem>>
      %dma_wait3A_149 = arith.constant 0 : i32
      %dma_wait3A_150 = arith.constant 0 : i32
      %dma_wait3A_151 = tpu.memref_slice %arg3[%dma_wait3A_149, %dma_wait3A_150] : memref<10000x64xf32, #tpu.memory_space<hbm>> -> memref<10000x64xf32, #tpu.memory_space<hbm>>
      tpu.wait_indirect_dma semaphore(%arg20 : memref<!tpu.dma_semaphore, #tpu.memory_space<semaphore_mem>>) src(%dma_wait3A_151 : memref<10000x64xf32, #tpu.memory_space<hbm>>) dst(%arg13 : memref<80x64xf32, #tpu.memory_space<vmem>>)
      %dma_start3A_152 = arith.constant 249 : i32
      %dma_start3A_153 = arith.constant 0 : i32
      %dma_start3A_154 = tpu.memref_slice %arg10[%dma_start3A_152, %dma_start3A_153] : memref<250x80xi32, #tpu.memory_space<vmem>> -> memref<1x80xi32, #tpu.memory_space<vmem>>
      %dma_start3A_155 = tpu.memref_squeeze %dma_start3A_154 : memref<1x80xi32, #tpu.memory_space<vmem>> -> memref<80xi32, #tpu.memory_space<vmem>>
      %dma_start3A_156 = arith.constant 0 : i32
      %dma_start3A_157 = arith.constant 0 : i32
      %dma_start3A_158 = tpu.memref_slice %arg17[%dma_start3A_156, %dma_start3A_157] : memref<10240x64xf32, #tpu.memory_space<vmem_shared>> -> memref<10240x64xf32, #tpu.memory_space<vmem_shared>>
      tpu.enqueue_indirect_dma source(%arg13 : memref<80x64xf32, #tpu.memory_space<vmem>>) target(%dma_start3A_158 : memref<10240x64xf32, #tpu.memory_space<vmem_shared>>) offsets(%dma_start3A_155 : memref<80xi32, #tpu.memory_space<vmem>>) semaphore(%arg22 : memref<!tpu.dma_semaphore, #tpu.memory_space<semaphore_mem>>) {add = true}
      %dma_start3A_159 = arith.constant 246 : i32
      %dma_start3A_160 = arith.constant 0 : i32
      %dma_start3A_161 = tpu.memref_slice %arg10[%dma_start3A_159, %dma_start3A_160] : memref<250x80xi32, #tpu.memory_space<vmem>> -> memref<1x80xi32, #tpu.memory_space<vmem>>
      %dma_start3A_162 = tpu.memref_squeeze %dma_start3A_161 : memref<1x80xi32, #tpu.memory_space<vmem>> -> memref<80xi32, #tpu.memory_space<vmem>>
      %dma_start3A_163 = arith.constant 0 : i32
      %dma_start3A_164 = tpu.memref_slice %arg18[%dma_start3A_163] : memref<10240xf32, #tpu.memory_space<vmem_shared>> -> memref<10240xf32, #tpu.memory_space<vmem_shared>>
      tpu.enqueue_indirect_dma source(%arg14 : memref<80xf32, #tpu.memory_space<vmem>>) target(%dma_start3A_164 : memref<10240xf32, #tpu.memory_space<vmem_shared>>) offsets(%dma_start3A_162 : memref<80xi32, #tpu.memory_space<vmem>>) semaphore(%arg23 : memref<!tpu.dma_semaphore, #tpu.memory_space<semaphore_mem>>) {add = true}
      %dma_start3A_165 = arith.constant 247 : i32
      %dma_start3A_166 = arith.constant 0 : i32
      %dma_start3A_167 = tpu.memref_slice %arg10[%dma_start3A_165, %dma_start3A_166] : memref<250x80xi32, #tpu.memory_space<vmem>> -> memref<1x80xi32, #tpu.memory_space<vmem>>
      %dma_start3A_168 = tpu.memref_squeeze %dma_start3A_167 : memref<1x80xi32, #tpu.memory_space<vmem>> -> memref<80xi32, #tpu.memory_space<vmem>>
      %dma_start3A_169 = arith.constant 0 : i32
      %dma_start3A_170 = tpu.memref_slice %arg18[%dma_start3A_169] : memref<10240xf32, #tpu.memory_space<vmem_shared>> -> memref<10240xf32, #tpu.memory_space<vmem_shared>>
      tpu.enqueue_indirect_dma source(%arg14 : memref<80xf32, #tpu.memory_space<vmem>>) target(%dma_start3A_170 : memref<10240xf32, #tpu.memory_space<vmem_shared>>) offsets(%dma_start3A_168 : memref<80xi32, #tpu.memory_space<vmem>>) semaphore(%arg23 : memref<!tpu.dma_semaphore, #tpu.memory_space<semaphore_mem>>) {add = true}
      %dma_start3A_171 = arith.constant 248 : i32
      %dma_start3A_172 = arith.constant 0 : i32
      %dma_start3A_173 = tpu.memref_slice %arg10[%dma_start3A_171, %dma_start3A_172] : memref<250x80xi32, #tpu.memory_space<vmem>> -> memref<1x80xi32, #tpu.memory_space<vmem>>
      %dma_start3A_174 = tpu.memref_squeeze %dma_start3A_173 : memref<1x80xi32, #tpu.memory_space<vmem>> -> memref<80xi32, #tpu.memory_space<vmem>>
      %dma_start3A_175 = arith.constant 0 : i32
      %dma_start3A_176 = tpu.memref_slice %arg18[%dma_start3A_175] : memref<10240xf32, #tpu.memory_space<vmem_shared>> -> memref<10240xf32, #tpu.memory_space<vmem_shared>>
      tpu.enqueue_indirect_dma source(%arg14 : memref<80xf32, #tpu.memory_space<vmem>>) target(%dma_start3A_176 : memref<10240xf32, #tpu.memory_space<vmem_shared>>) offsets(%dma_start3A_174 : memref<80xi32, #tpu.memory_space<vmem>>) semaphore(%arg23 : memref<!tpu.dma_semaphore, #tpu.memory_space<semaphore_mem>>) {add = true}
      %dma_start3A_177 = arith.constant 249 : i32
      %dma_start3A_178 = arith.constant 0 : i32
      %dma_start3A_179 = tpu.memref_slice %arg10[%dma_start3A_177, %dma_start3A_178] : memref<250x80xi32, #tpu.memory_space<vmem>> -> memref<1x80xi32, #tpu.memory_space<vmem>>
      %dma_start3A_180 = tpu.memref_squeeze %dma_start3A_179 : memref<1x80xi32, #tpu.memory_space<vmem>> -> memref<80xi32, #tpu.memory_space<vmem>>
      %dma_start3A_181 = arith.constant 0 : i32
      %dma_start3A_182 = tpu.memref_slice %arg18[%dma_start3A_181] : memref<10240xf32, #tpu.memory_space<vmem_shared>> -> memref<10240xf32, #tpu.memory_space<vmem_shared>>
      tpu.enqueue_indirect_dma source(%arg14 : memref<80xf32, #tpu.memory_space<vmem>>) target(%dma_start3A_182 : memref<10240xf32, #tpu.memory_space<vmem_shared>>) offsets(%dma_start3A_180 : memref<80xi32, #tpu.memory_space<vmem>>) semaphore(%arg23 : memref<!tpu.dma_semaphore, #tpu.memory_space<semaphore_mem>>) {add = true}
      %dma_wait3A_183 = arith.constant 248 : i32
      %dma_wait3A_184 = arith.constant 0 : i32
      %dma_wait3A_185 = tpu.memref_slice %arg10[%dma_wait3A_183, %dma_wait3A_184] : memref<250x80xi32, #tpu.memory_space<vmem>> -> memref<1x80xi32, #tpu.memory_space<vmem>>
      %dma_wait3A_186 = tpu.memref_squeeze %dma_wait3A_185 : memref<1x80xi32, #tpu.memory_space<vmem>> -> memref<80xi32, #tpu.memory_space<vmem>>
      %dma_wait3A_187 = arith.constant 0 : i32
      %dma_wait3A_188 = arith.constant 0 : i32
      %dma_wait3A_189 = tpu.memref_slice %arg17[%dma_wait3A_187, %dma_wait3A_188] : memref<10240x64xf32, #tpu.memory_space<vmem_shared>> -> memref<10240x64xf32, #tpu.memory_space<vmem_shared>>
      tpu.wait_indirect_dma semaphore(%arg21 : memref<!tpu.dma_semaphore, #tpu.memory_space<semaphore_mem>>) src(%arg12 : memref<80x64xf32, #tpu.memory_space<vmem>>) dst(%dma_wait3A_189 : memref<10240x64xf32, #tpu.memory_space<vmem_shared>>)
      %dma_wait3A_190 = arith.constant 249 : i32
      %dma_wait3A_191 = arith.constant 0 : i32
      %dma_wait3A_192 = tpu.memref_slice %arg10[%dma_wait3A_190, %dma_wait3A_191] : memref<250x80xi32, #tpu.memory_space<vmem>> -> memref<1x80xi32, #tpu.memory_space<vmem>>
      %dma_wait3A_193 = tpu.memref_squeeze %dma_wait3A_192 : memref<1x80xi32, #tpu.memory_space<vmem>> -> memref<80xi32, #tpu.memory_space<vmem>>
      %dma_wait3A_194 = arith.constant 0 : i32
      %dma_wait3A_195 = arith.constant 0 : i32
      %dma_wait3A_196 = tpu.memref_slice %arg17[%dma_wait3A_194, %dma_wait3A_195] : memref<10240x64xf32, #tpu.memory_space<vmem_shared>> -> memref<10240x64xf32, #tpu.memory_space<vmem_shared>>
      tpu.wait_indirect_dma semaphore(%arg22 : memref<!tpu.dma_semaphore, #tpu.memory_space<semaphore_mem>>) src(%arg13 : memref<80x64xf32, #tpu.memory_space<vmem>>) dst(%dma_wait3A_196 : memref<10240x64xf32, #tpu.memory_space<vmem_shared>>)
      %dma_wait3A_197 = arith.constant 0 : i32
      %dma_wait3A_198 = arith.constant 0 : i32
      %dma_wait3A_199 = arith.constant 0 : i32
      %dma_wait3A_200 = tpu.memref_slice %arg2[%dma_wait3A_197, %arg1, %dma_wait3A_198, %dma_wait3A_199] : memref<2x16x250x80xi32, #tpu.memory_space<hbm>> -> memref<1x1x250x80xi32, #tpu.memory_space<hbm>>
      %dma_wait3A_201 = tpu.memref_squeeze %dma_wait3A_200 : memref<1x1x250x80xi32, #tpu.memory_space<hbm>> -> memref<250x80xi32, #tpu.memory_space<hbm>>
      %dma_wait3A_202 = arith.constant 0 : i32
      %dma_wait3A_203 = arith.constant 0 : i32
      %dma_wait3A_204 = tpu.memref_slice %arg2[%dma_wait3A_197, %arg1, %dma_wait3A_202, %dma_wait3A_203] : memref<2x16x250x80xi32, #tpu.memory_space<hbm>> -> memref<1x1x250x80xi32, #tpu.memory_space<hbm>>
      %dma_wait3A_205 = tpu.memref_squeeze %dma_wait3A_204 : memref<1x1x250x80xi32, #tpu.memory_space<hbm>> -> memref<250x80xi32, #tpu.memory_space<hbm>>
      tpu.wait_dma2 semaphore(%arg23 : memref<!tpu.dma_semaphore, #tpu.memory_space<semaphore_mem>>) src(%dma_wait3A_205 : memref<250x80xi32, #tpu.memory_space<hbm>>) dst(%arg10 : memref<250x80xi32, #tpu.memory_space<vmem>>)
    } else {
    }
    %eq3A_30 = arith.constant 1 : i32
    %eq3A_31 = arith.cmpi eq, %arg0, %eq3A_30 : i32
    %convert_element_type3A_32 = arith.extui %eq3A_31 : i1 to i32
    %cond3A_33 = arith.constant 0 : i32
    %cond3A_34 = arith.cmpi ne, %convert_element_type3A_32, %cond3A_33 : i32
    scf.if %cond3A_34 {
      %dma_start3A = arith.constant 0 : i32
      %dma_start3A_58 = arith.constant 0 : i32
      %dma_start3A_59 = tpu.memref_slice %arg11[%dma_start3A, %dma_start3A_58] : memref<250x80xi32, #tpu.memory_space<vmem>> -> memref<1x80xi32, #tpu.memory_space<vmem>>
      %dma_start3A_60 = tpu.memref_squeeze %dma_start3A_59 : memref<1x80xi32, #tpu.memory_space<vmem>> -> memref<80xi32, #tpu.memory_space<vmem>>
      %dma_start3A_61 = arith.constant 0 : i32
      %dma_start3A_62 = arith.constant 0 : i32
      %dma_start3A_63 = tpu.memref_slice %arg4[%dma_start3A_61, %dma_start3A_62] : memref<10000x64xf32, #tpu.memory_space<hbm>> -> memref<10000x64xf32, #tpu.memory_space<hbm>>
      tpu.enqueue_indirect_dma source(%dma_start3A_63 : memref<10000x64xf32, #tpu.memory_space<hbm>>) target(%arg12 : memref<80x64xf32, #tpu.memory_space<vmem>>) offsets(%dma_start3A_60 : memref<80xi32, #tpu.memory_space<vmem>>) semaphore(%arg19 : memref<!tpu.dma_semaphore, #tpu.memory_space<semaphore_mem>>)
      %dma_start3A_64 = arith.constant 1 : i32
      %dma_start3A_65 = arith.constant 0 : i32
      %dma_start3A_66 = tpu.memref_slice %arg11[%dma_start3A_64, %dma_start3A_65] : memref<250x80xi32, #tpu.memory_space<vmem>> -> memref<1x80xi32, #tpu.memory_space<vmem>>
      %dma_start3A_67 = tpu.memref_squeeze %dma_start3A_66 : memref<1x80xi32, #tpu.memory_space<vmem>> -> memref<80xi32, #tpu.memory_space<vmem>>
      %dma_start3A_68 = arith.constant 0 : i32
      %dma_start3A_69 = arith.constant 0 : i32
      %dma_start3A_70 = tpu.memref_slice %arg4[%dma_start3A_68, %dma_start3A_69] : memref<10000x64xf32, #tpu.memory_space<hbm>> -> memref<10000x64xf32, #tpu.memory_space<hbm>>
      tpu.enqueue_indirect_dma source(%dma_start3A_70 : memref<10000x64xf32, #tpu.memory_space<hbm>>) target(%arg13 : memref<80x64xf32, #tpu.memory_space<vmem>>) offsets(%dma_start3A_67 : memref<80xi32, #tpu.memory_space<vmem>>) semaphore(%arg20 : memref<!tpu.dma_semaphore, #tpu.memory_space<semaphore_mem>>)
      %scan3A_71 = arith.constant 0 : i32
      %scan3A_72 = arith.constant 123 : i32
      %scan3A_73 = arith.addi %scan3A_71, %scan3A_72 : i32
      %scan3A_74 = arith.constant 1 : i32
      scf.for %scan3A_206 = %scan3A_71 to %scan3A_73 step %scan3A_74  : i32 {
        %mul3A_207 = arith.constant 2 : i32
        %mul3A_208 = arith.muli %scan3A_206, %mul3A_207 : i32
        %add3A_209 = arith.constant 0 : i32
        %add3A_210 = arith.addi %add3A_209, %mul3A_208 : i32
        %dma_wait3A_211 = arith.constant 0 : i32
        %dma_wait3A_212 = tpu.memref_slice %arg11[%add3A_210, %dma_wait3A_211] : memref<250x80xi32, #tpu.memory_space<vmem>> -> memref<1x80xi32, #tpu.memory_space<vmem>>
        %dma_wait3A_213 = tpu.memref_squeeze %dma_wait3A_212 : memref<1x80xi32, #tpu.memory_space<vmem>> -> memref<80xi32, #tpu.memory_space<vmem>>
        %dma_wait3A_214 = arith.constant 0 : i32
        %dma_wait3A_215 = arith.constant 0 : i32
        %dma_wait3A_216 = tpu.memref_slice %arg4[%dma_wait3A_214, %dma_wait3A_215] : memref<10000x64xf32, #tpu.memory_space<hbm>> -> memref<10000x64xf32, #tpu.memory_space<hbm>>
        tpu.wait_indirect_dma semaphore(%arg19 : memref<!tpu.dma_semaphore, #tpu.memory_space<semaphore_mem>>) src(%dma_wait3A_216 : memref<10000x64xf32, #tpu.memory_space<hbm>>) dst(%arg12 : memref<80x64xf32, #tpu.memory_space<vmem>>)
        %dma_start3A_217 = arith.constant 0 : i32
        %dma_start3A_218 = tpu.memref_slice %arg10[%add3A_210, %dma_start3A_217] : memref<250x80xi32, #tpu.memory_space<vmem>> -> memref<1x80xi32, #tpu.memory_space<vmem>>
        %dma_start3A_219 = tpu.memref_squeeze %dma_start3A_218 : memref<1x80xi32, #tpu.memory_space<vmem>> -> memref<80xi32, #tpu.memory_space<vmem>>
        %dma_start3A_220 = arith.constant 0 : i32
        %dma_start3A_221 = arith.constant 0 : i32
        %dma_start3A_222 = tpu.memref_slice %arg17[%dma_start3A_220, %dma_start3A_221] : memref<10240x64xf32, #tpu.memory_space<vmem_shared>> -> memref<10240x64xf32, #tpu.memory_space<vmem_shared>>
        tpu.enqueue_indirect_dma source(%arg12 : memref<80x64xf32, #tpu.memory_space<vmem>>) target(%dma_start3A_222 : memref<10240x64xf32, #tpu.memory_space<vmem_shared>>) offsets(%dma_start3A_219 : memref<80xi32, #tpu.memory_space<vmem>>) semaphore(%arg21 : memref<!tpu.dma_semaphore, #tpu.memory_space<semaphore_mem>>) {add = true}
        %add3A_223 = arith.constant 1 : i32
        %add3A_224 = arith.addi %add3A_210, %add3A_223 : i32
        %dma_wait3A_225 = arith.constant 0 : i32
        %dma_wait3A_226 = tpu.memref_slice %arg11[%add3A_224, %dma_wait3A_225] : memref<250x80xi32, #tpu.memory_space<vmem>> -> memref<1x80xi32, #tpu.memory_space<vmem>>
        %dma_wait3A_227 = tpu.memref_squeeze %dma_wait3A_226 : memref<1x80xi32, #tpu.memory_space<vmem>> -> memref<80xi32, #tpu.memory_space<vmem>>
        %dma_wait3A_228 = arith.constant 0 : i32
        %dma_wait3A_229 = arith.constant 0 : i32
        %dma_wait3A_230 = tpu.memref_slice %arg4[%dma_wait3A_228, %dma_wait3A_229] : memref<10000x64xf32, #tpu.memory_space<hbm>> -> memref<10000x64xf32, #tpu.memory_space<hbm>>
        tpu.wait_indirect_dma semaphore(%arg20 : memref<!tpu.dma_semaphore, #tpu.memory_space<semaphore_mem>>) src(%dma_wait3A_230 : memref<10000x64xf32, #tpu.memory_space<hbm>>) dst(%arg13 : memref<80x64xf32, #tpu.memory_space<vmem>>)
        %add3A_231 = arith.constant 1 : i32
        %add3A_232 = arith.addi %add3A_210, %add3A_231 : i32
        %dma_start3A_233 = arith.constant 0 : i32
        %dma_start3A_234 = tpu.memref_slice %arg10[%add3A_232, %dma_start3A_233] : memref<250x80xi32, #tpu.memory_space<vmem>> -> memref<1x80xi32, #tpu.memory_space<vmem>>
        %dma_start3A_235 = tpu.memref_squeeze %dma_start3A_234 : memref<1x80xi32, #tpu.memory_space<vmem>> -> memref<80xi32, #tpu.memory_space<vmem>>
        %dma_start3A_236 = arith.constant 0 : i32
        %dma_start3A_237 = arith.constant 0 : i32
        %dma_start3A_238 = tpu.memref_slice %arg17[%dma_start3A_236, %dma_start3A_237] : memref<10240x64xf32, #tpu.memory_space<vmem_shared>> -> memref<10240x64xf32, #tpu.memory_space<vmem_shared>>
        tpu.enqueue_indirect_dma source(%arg13 : memref<80x64xf32, #tpu.memory_space<vmem>>) target(%dma_start3A_238 : memref<10240x64xf32, #tpu.memory_space<vmem_shared>>) offsets(%dma_start3A_235 : memref<80xi32, #tpu.memory_space<vmem>>) semaphore(%arg22 : memref<!tpu.dma_semaphore, #tpu.memory_space<semaphore_mem>>) {add = true}
        %dma_start3A_239 = arith.constant 0 : i32
        %dma_start3A_240 = tpu.memref_slice %arg10[%add3A_210, %dma_start3A_239] : memref<250x80xi32, #tpu.memory_space<vmem>> -> memref<1x80xi32, #tpu.memory_space<vmem>>
        %dma_start3A_241 = tpu.memref_squeeze %dma_start3A_240 : memref<1x80xi32, #tpu.memory_space<vmem>> -> memref<80xi32, #tpu.memory_space<vmem>>
        %dma_start3A_242 = arith.constant 0 : i32
        %dma_start3A_243 = tpu.memref_slice %arg18[%dma_start3A_242] : memref<10240xf32, #tpu.memory_space<vmem_shared>> -> memref<10240xf32, #tpu.memory_space<vmem_shared>>
        tpu.enqueue_indirect_dma source(%arg14 : memref<80xf32, #tpu.memory_space<vmem>>) target(%dma_start3A_243 : memref<10240xf32, #tpu.memory_space<vmem_shared>>) offsets(%dma_start3A_241 : memref<80xi32, #tpu.memory_space<vmem>>) semaphore(%arg23 : memref<!tpu.dma_semaphore, #tpu.memory_space<semaphore_mem>>) {add = true}
        %add3A_244 = arith.constant 1 : i32
        %add3A_245 = arith.addi %add3A_210, %add3A_244 : i32
        %dma_start3A_246 = arith.constant 0 : i32
        %dma_start3A_247 = tpu.memref_slice %arg10[%add3A_245, %dma_start3A_246] : memref<250x80xi32, #tpu.memory_space<vmem>> -> memref<1x80xi32, #tpu.memory_space<vmem>>
        %dma_start3A_248 = tpu.memref_squeeze %dma_start3A_247 : memref<1x80xi32, #tpu.memory_space<vmem>> -> memref<80xi32, #tpu.memory_space<vmem>>
        %dma_start3A_249 = arith.constant 0 : i32
        %dma_start3A_250 = tpu.memref_slice %arg18[%dma_start3A_249] : memref<10240xf32, #tpu.memory_space<vmem_shared>> -> memref<10240xf32, #tpu.memory_space<vmem_shared>>
        tpu.enqueue_indirect_dma source(%arg14 : memref<80xf32, #tpu.memory_space<vmem>>) target(%dma_start3A_250 : memref<10240xf32, #tpu.memory_space<vmem_shared>>) offsets(%dma_start3A_248 : memref<80xi32, #tpu.memory_space<vmem>>) semaphore(%arg23 : memref<!tpu.dma_semaphore, #tpu.memory_space<semaphore_mem>>) {add = true}
        %dma_wait3A_251 = arith.constant 0 : i32
        %dma_wait3A_252 = tpu.memref_slice %arg10[%add3A_210, %dma_wait3A_251] : memref<250x80xi32, #tpu.memory_space<vmem>> -> memref<1x80xi32, #tpu.memory_space<vmem>>
        %dma_wait3A_253 = tpu.memref_squeeze %dma_wait3A_252 : memref<1x80xi32, #tpu.memory_space<vmem>> -> memref<80xi32, #tpu.memory_space<vmem>>
        %dma_wait3A_254 = arith.constant 0 : i32
        %dma_wait3A_255 = arith.constant 0 : i32
        %dma_wait3A_256 = tpu.memref_slice %arg17[%dma_wait3A_254, %dma_wait3A_255] : memref<10240x64xf32, #tpu.memory_space<vmem_shared>> -> memref<10240x64xf32, #tpu.memory_space<vmem_shared>>
        tpu.wait_indirect_dma semaphore(%arg21 : memref<!tpu.dma_semaphore, #tpu.memory_space<semaphore_mem>>) src(%arg12 : memref<80x64xf32, #tpu.memory_space<vmem>>) dst(%dma_wait3A_256 : memref<10240x64xf32, #tpu.memory_space<vmem_shared>>)
        %add3A_257 = arith.constant 2 : i32
        %add3A_258 = arith.addi %add3A_210, %add3A_257 : i32
        %dma_start3A_259 = arith.constant 0 : i32
        %dma_start3A_260 = tpu.memref_slice %arg11[%add3A_258, %dma_start3A_259] : memref<250x80xi32, #tpu.memory_space<vmem>> -> memref<1x80xi32, #tpu.memory_space<vmem>>
        %dma_start3A_261 = tpu.memref_squeeze %dma_start3A_260 : memref<1x80xi32, #tpu.memory_space<vmem>> -> memref<80xi32, #tpu.memory_space<vmem>>
        %dma_start3A_262 = arith.constant 0 : i32
        %dma_start3A_263 = arith.constant 0 : i32
        %dma_start3A_264 = tpu.memref_slice %arg4[%dma_start3A_262, %dma_start3A_263] : memref<10000x64xf32, #tpu.memory_space<hbm>> -> memref<10000x64xf32, #tpu.memory_space<hbm>>
        tpu.enqueue_indirect_dma source(%dma_start3A_264 : memref<10000x64xf32, #tpu.memory_space<hbm>>) target(%arg12 : memref<80x64xf32, #tpu.memory_space<vmem>>) offsets(%dma_start3A_261 : memref<80xi32, #tpu.memory_space<vmem>>) semaphore(%arg19 : memref<!tpu.dma_semaphore, #tpu.memory_space<semaphore_mem>>)
        %add3A_265 = arith.constant 1 : i32
        %add3A_266 = arith.addi %add3A_210, %add3A_265 : i32
        %dma_wait3A_267 = arith.constant 0 : i32
        %dma_wait3A_268 = tpu.memref_slice %arg10[%add3A_266, %dma_wait3A_267] : memref<250x80xi32, #tpu.memory_space<vmem>> -> memref<1x80xi32, #tpu.memory_space<vmem>>
        %dma_wait3A_269 = tpu.memref_squeeze %dma_wait3A_268 : memref<1x80xi32, #tpu.memory_space<vmem>> -> memref<80xi32, #tpu.memory_space<vmem>>
        %dma_wait3A_270 = arith.constant 0 : i32
        %dma_wait3A_271 = arith.constant 0 : i32
        %dma_wait3A_272 = tpu.memref_slice %arg17[%dma_wait3A_270, %dma_wait3A_271] : memref<10240x64xf32, #tpu.memory_space<vmem_shared>> -> memref<10240x64xf32, #tpu.memory_space<vmem_shared>>
        tpu.wait_indirect_dma semaphore(%arg22 : memref<!tpu.dma_semaphore, #tpu.memory_space<semaphore_mem>>) src(%arg13 : memref<80x64xf32, #tpu.memory_space<vmem>>) dst(%dma_wait3A_272 : memref<10240x64xf32, #tpu.memory_space<vmem_shared>>)
        %add3A_273 = arith.constant 3 : i32
        %add3A_274 = arith.addi %add3A_210, %add3A_273 : i32
        %dma_start3A_275 = arith.constant 0 : i32
        %dma_start3A_276 = tpu.memref_slice %arg11[%add3A_274, %dma_start3A_275] : memref<250x80xi32, #tpu.memory_space<vmem>> -> memref<1x80xi32, #tpu.memory_space<vmem>>
        %dma_start3A_277 = tpu.memref_squeeze %dma_start3A_276 : memref<1x80xi32, #tpu.memory_space<vmem>> -> memref<80xi32, #tpu.memory_space<vmem>>
        %dma_start3A_278 = arith.constant 0 : i32
        %dma_start3A_279 = arith.constant 0 : i32
        %dma_start3A_280 = tpu.memref_slice %arg4[%dma_start3A_278, %dma_start3A_279] : memref<10000x64xf32, #tpu.memory_space<hbm>> -> memref<10000x64xf32, #tpu.memory_space<hbm>>
        tpu.enqueue_indirect_dma source(%dma_start3A_280 : memref<10000x64xf32, #tpu.memory_space<hbm>>) target(%arg13 : memref<80x64xf32, #tpu.memory_space<vmem>>) offsets(%dma_start3A_277 : memref<80xi32, #tpu.memory_space<vmem>>) semaphore(%arg20 : memref<!tpu.dma_semaphore, #tpu.memory_space<semaphore_mem>>)
      }
      %scan3A_75 = arith.constant 123 : i32
      %dma_wait3A = arith.constant 246 : i32
      %dma_wait3A_76 = arith.constant 0 : i32
      %dma_wait3A_77 = tpu.memref_slice %arg11[%dma_wait3A, %dma_wait3A_76] : memref<250x80xi32, #tpu.memory_space<vmem>> -> memref<1x80xi32, #tpu.memory_space<vmem>>
      %dma_wait3A_78 = tpu.memref_squeeze %dma_wait3A_77 : memref<1x80xi32, #tpu.memory_space<vmem>> -> memref<80xi32, #tpu.memory_space<vmem>>
      %dma_wait3A_79 = arith.constant 0 : i32
      %dma_wait3A_80 = arith.constant 0 : i32
      %dma_wait3A_81 = tpu.memref_slice %arg4[%dma_wait3A_79, %dma_wait3A_80] : memref<10000x64xf32, #tpu.memory_space<hbm>> -> memref<10000x64xf32, #tpu.memory_space<hbm>>
      tpu.wait_indirect_dma semaphore(%arg19 : memref<!tpu.dma_semaphore, #tpu.memory_space<semaphore_mem>>) src(%dma_wait3A_81 : memref<10000x64xf32, #tpu.memory_space<hbm>>) dst(%arg12 : memref<80x64xf32, #tpu.memory_space<vmem>>)
      %dma_start3A_82 = arith.constant 246 : i32
      %dma_start3A_83 = arith.constant 0 : i32
      %dma_start3A_84 = tpu.memref_slice %arg10[%dma_start3A_82, %dma_start3A_83] : memref<250x80xi32, #tpu.memory_space<vmem>> -> memref<1x80xi32, #tpu.memory_space<vmem>>
      %dma_start3A_85 = tpu.memref_squeeze %dma_start3A_84 : memref<1x80xi32, #tpu.memory_space<vmem>> -> memref<80xi32, #tpu.memory_space<vmem>>
      %dma_start3A_86 = arith.constant 0 : i32
      %dma_start3A_87 = arith.constant 0 : i32
      %dma_start3A_88 = tpu.memref_slice %arg17[%dma_start3A_86, %dma_start3A_87] : memref<10240x64xf32, #tpu.memory_space<vmem_shared>> -> memref<10240x64xf32, #tpu.memory_space<vmem_shared>>
      tpu.enqueue_indirect_dma source(%arg12 : memref<80x64xf32, #tpu.memory_space<vmem>>) target(%dma_start3A_88 : memref<10240x64xf32, #tpu.memory_space<vmem_shared>>) offsets(%dma_start3A_85 : memref<80xi32, #tpu.memory_space<vmem>>) semaphore(%arg21 : memref<!tpu.dma_semaphore, #tpu.memory_space<semaphore_mem>>) {add = true}
      %dma_wait3A_89 = arith.constant 247 : i32
      %dma_wait3A_90 = arith.constant 0 : i32
      %dma_wait3A_91 = tpu.memref_slice %arg11[%dma_wait3A_89, %dma_wait3A_90] : memref<250x80xi32, #tpu.memory_space<vmem>> -> memref<1x80xi32, #tpu.memory_space<vmem>>
      %dma_wait3A_92 = tpu.memref_squeeze %dma_wait3A_91 : memref<1x80xi32, #tpu.memory_space<vmem>> -> memref<80xi32, #tpu.memory_space<vmem>>
      %dma_wait3A_93 = arith.constant 0 : i32
      %dma_wait3A_94 = arith.constant 0 : i32
      %dma_wait3A_95 = tpu.memref_slice %arg4[%dma_wait3A_93, %dma_wait3A_94] : memref<10000x64xf32, #tpu.memory_space<hbm>> -> memref<10000x64xf32, #tpu.memory_space<hbm>>
      tpu.wait_indirect_dma semaphore(%arg20 : memref<!tpu.dma_semaphore, #tpu.memory_space<semaphore_mem>>) src(%dma_wait3A_95 : memref<10000x64xf32, #tpu.memory_space<hbm>>) dst(%arg13 : memref<80x64xf32, #tpu.memory_space<vmem>>)
      %dma_start3A_96 = arith.constant 247 : i32
      %dma_start3A_97 = arith.constant 0 : i32
      %dma_start3A_98 = tpu.memref_slice %arg10[%dma_start3A_96, %dma_start3A_97] : memref<250x80xi32, #tpu.memory_space<vmem>> -> memref<1x80xi32, #tpu.memory_space<vmem>>
      %dma_start3A_99 = tpu.memref_squeeze %dma_start3A_98 : memref<1x80xi32, #tpu.memory_space<vmem>> -> memref<80xi32, #tpu.memory_space<vmem>>
      %dma_start3A_100 = arith.constant 0 : i32
      %dma_start3A_101 = arith.constant 0 : i32
      %dma_start3A_102 = tpu.memref_slice %arg17[%dma_start3A_100, %dma_start3A_101] : memref<10240x64xf32, #tpu.memory_space<vmem_shared>> -> memref<10240x64xf32, #tpu.memory_space<vmem_shared>>
      tpu.enqueue_indirect_dma source(%arg13 : memref<80x64xf32, #tpu.memory_space<vmem>>) target(%dma_start3A_102 : memref<10240x64xf32, #tpu.memory_space<vmem_shared>>) offsets(%dma_start3A_99 : memref<80xi32, #tpu.memory_space<vmem>>) semaphore(%arg22 : memref<!tpu.dma_semaphore, #tpu.memory_space<semaphore_mem>>) {add = true}
      %dma_wait3A_103 = arith.constant 246 : i32
      %dma_wait3A_104 = arith.constant 0 : i32
      %dma_wait3A_105 = tpu.memref_slice %arg10[%dma_wait3A_103, %dma_wait3A_104] : memref<250x80xi32, #tpu.memory_space<vmem>> -> memref<1x80xi32, #tpu.memory_space<vmem>>
      %dma_wait3A_106 = tpu.memref_squeeze %dma_wait3A_105 : memref<1x80xi32, #tpu.memory_space<vmem>> -> memref<80xi32, #tpu.memory_space<vmem>>
      %dma_wait3A_107 = arith.constant 0 : i32
      %dma_wait3A_108 = arith.constant 0 : i32
      %dma_wait3A_109 = tpu.memref_slice %arg17[%dma_wait3A_107, %dma_wait3A_108] : memref<10240x64xf32, #tpu.memory_space<vmem_shared>> -> memref<10240x64xf32, #tpu.memory_space<vmem_shared>>
      tpu.wait_indirect_dma semaphore(%arg21 : memref<!tpu.dma_semaphore, #tpu.memory_space<semaphore_mem>>) src(%arg12 : memref<80x64xf32, #tpu.memory_space<vmem>>) dst(%dma_wait3A_109 : memref<10240x64xf32, #tpu.memory_space<vmem_shared>>)
      %dma_start3A_110 = arith.constant 248 : i32
      %dma_start3A_111 = arith.constant 0 : i32
      %dma_start3A_112 = tpu.memref_slice %arg11[%dma_start3A_110, %dma_start3A_111] : memref<250x80xi32, #tpu.memory_space<vmem>> -> memref<1x80xi32, #tpu.memory_space<vmem>>
      %dma_start3A_113 = tpu.memref_squeeze %dma_start3A_112 : memref<1x80xi32, #tpu.memory_space<vmem>> -> memref<80xi32, #tpu.memory_space<vmem>>
      %dma_start3A_114 = arith.constant 0 : i32
      %dma_start3A_115 = arith.constant 0 : i32
      %dma_start3A_116 = tpu.memref_slice %arg4[%dma_start3A_114, %dma_start3A_115] : memref<10000x64xf32, #tpu.memory_space<hbm>> -> memref<10000x64xf32, #tpu.memory_space<hbm>>
      tpu.enqueue_indirect_dma source(%dma_start3A_116 : memref<10000x64xf32, #tpu.memory_space<hbm>>) target(%arg12 : memref<80x64xf32, #tpu.memory_space<vmem>>) offsets(%dma_start3A_113 : memref<80xi32, #tpu.memory_space<vmem>>) semaphore(%arg19 : memref<!tpu.dma_semaphore, #tpu.memory_space<semaphore_mem>>)
      %dma_wait3A_117 = arith.constant 247 : i32
      %dma_wait3A_118 = arith.constant 0 : i32
      %dma_wait3A_119 = tpu.memref_slice %arg10[%dma_wait3A_117, %dma_wait3A_118] : memref<250x80xi32, #tpu.memory_space<vmem>> -> memref<1x80xi32, #tpu.memory_space<vmem>>
      %dma_wait3A_120 = tpu.memref_squeeze %dma_wait3A_119 : memref<1x80xi32, #tpu.memory_space<vmem>> -> memref<80xi32, #tpu.memory_space<vmem>>
      %dma_wait3A_121 = arith.constant 0 : i32
      %dma_wait3A_122 = arith.constant 0 : i32
      %dma_wait3A_123 = tpu.memref_slice %arg17[%dma_wait3A_121, %dma_wait3A_122] : memref<10240x64xf32, #tpu.memory_space<vmem_shared>> -> memref<10240x64xf32, #tpu.memory_space<vmem_shared>>
      tpu.wait_indirect_dma semaphore(%arg22 : memref<!tpu.dma_semaphore, #tpu.memory_space<semaphore_mem>>) src(%arg13 : memref<80x64xf32, #tpu.memory_space<vmem>>) dst(%dma_wait3A_123 : memref<10240x64xf32, #tpu.memory_space<vmem_shared>>)
      %dma_start3A_124 = arith.constant 249 : i32
      %dma_start3A_125 = arith.constant 0 : i32
      %dma_start3A_126 = tpu.memref_slice %arg11[%dma_start3A_124, %dma_start3A_125] : memref<250x80xi32, #tpu.memory_space<vmem>> -> memref<1x80xi32, #tpu.memory_space<vmem>>
      %dma_start3A_127 = tpu.memref_squeeze %dma_start3A_126 : memref<1x80xi32, #tpu.memory_space<vmem>> -> memref<80xi32, #tpu.memory_space<vmem>>
      %dma_start3A_128 = arith.constant 0 : i32
      %dma_start3A_129 = arith.constant 0 : i32
      %dma_start3A_130 = tpu.memref_slice %arg4[%dma_start3A_128, %dma_start3A_129] : memref<10000x64xf32, #tpu.memory_space<hbm>> -> memref<10000x64xf32, #tpu.memory_space<hbm>>
      tpu.enqueue_indirect_dma source(%dma_start3A_130 : memref<10000x64xf32, #tpu.memory_space<hbm>>) target(%arg13 : memref<80x64xf32, #tpu.memory_space<vmem>>) offsets(%dma_start3A_127 : memref<80xi32, #tpu.memory_space<vmem>>) semaphore(%arg20 : memref<!tpu.dma_semaphore, #tpu.memory_space<semaphore_mem>>)
      %dma_wait3A_131 = arith.constant 248 : i32
      %dma_wait3A_132 = arith.constant 0 : i32
      %dma_wait3A_133 = tpu.memref_slice %arg11[%dma_wait3A_131, %dma_wait3A_132] : memref<250x80xi32, #tpu.memory_space<vmem>> -> memref<1x80xi32, #tpu.memory_space<vmem>>
      %dma_wait3A_134 = tpu.memref_squeeze %dma_wait3A_133 : memref<1x80xi32, #tpu.memory_space<vmem>> -> memref<80xi32, #tpu.memory_space<vmem>>
      %dma_wait3A_135 = arith.constant 0 : i32
      %dma_wait3A_136 = arith.constant 0 : i32
      %dma_wait3A_137 = tpu.memref_slice %arg4[%dma_wait3A_135, %dma_wait3A_136] : memref<10000x64xf32, #tpu.memory_space<hbm>> -> memref<10000x64xf32, #tpu.memory_space<hbm>>
      tpu.wait_indirect_dma semaphore(%arg19 : memref<!tpu.dma_semaphore, #tpu.memory_space<semaphore_mem>>) src(%dma_wait3A_137 : memref<10000x64xf32, #tpu.memory_space<hbm>>) dst(%arg12 : memref<80x64xf32, #tpu.memory_space<vmem>>)
      %dma_start3A_138 = arith.constant 248 : i32
      %dma_start3A_139 = arith.constant 0 : i32
      %dma_start3A_140 = tpu.memref_slice %arg10[%dma_start3A_138, %dma_start3A_139] : memref<250x80xi32, #tpu.memory_space<vmem>> -> memref<1x80xi32, #tpu.memory_space<vmem>>
      %dma_start3A_141 = tpu.memref_squeeze %dma_start3A_140 : memref<1x80xi32, #tpu.memory_space<vmem>> -> memref<80xi32, #tpu.memory_space<vmem>>
      %dma_start3A_142 = arith.constant 0 : i32
      %dma_start3A_143 = arith.constant 0 : i32
      %dma_start3A_144 = tpu.memref_slice %arg17[%dma_start3A_142, %dma_start3A_143] : memref<10240x64xf32, #tpu.memory_space<vmem_shared>> -> memref<10240x64xf32, #tpu.memory_space<vmem_shared>>
      tpu.enqueue_indirect_dma source(%arg12 : memref<80x64xf32, #tpu.memory_space<vmem>>) target(%dma_start3A_144 : memref<10240x64xf32, #tpu.memory_space<vmem_shared>>) offsets(%dma_start3A_141 : memref<80xi32, #tpu.memory_space<vmem>>) semaphore(%arg21 : memref<!tpu.dma_semaphore, #tpu.memory_space<semaphore_mem>>) {add = true}
      %dma_wait3A_145 = arith.constant 249 : i32
      %dma_wait3A_146 = arith.constant 0 : i32
      %dma_wait3A_147 = tpu.memref_slice %arg11[%dma_wait3A_145, %dma_wait3A_146] : memref<250x80xi32, #tpu.memory_space<vmem>> -> memref<1x80xi32, #tpu.memory_space<vmem>>
      %dma_wait3A_148 = tpu.memref_squeeze %dma_wait3A_147 : memref<1x80xi32, #tpu.memory_space<vmem>> -> memref<80xi32, #tpu.memory_space<vmem>>
      %dma_wait3A_149 = arith.constant 0 : i32
      %dma_wait3A_150 = arith.constant 0 : i32
      %dma_wait3A_151 = tpu.memref_slice %arg4[%dma_wait3A_149, %dma_wait3A_150] : memref<10000x64xf32, #tpu.memory_space<hbm>> -> memref<10000x64xf32, #tpu.memory_space<hbm>>
      tpu.wait_indirect_dma semaphore(%arg20 : memref<!tpu.dma_semaphore, #tpu.memory_space<semaphore_mem>>) src(%dma_wait3A_151 : memref<10000x64xf32, #tpu.memory_space<hbm>>) dst(%arg13 : memref<80x64xf32, #tpu.memory_space<vmem>>)
      %dma_start3A_152 = arith.constant 249 : i32
      %dma_start3A_153 = arith.constant 0 : i32
      %dma_start3A_154 = tpu.memref_slice %arg10[%dma_start3A_152, %dma_start3A_153] : memref<250x80xi32, #tpu.memory_space<vmem>> -> memref<1x80xi32, #tpu.memory_space<vmem>>
      %dma_start3A_155 = tpu.memref_squeeze %dma_start3A_154 : memref<1x80xi32, #tpu.memory_space<vmem>> -> memref<80xi32, #tpu.memory_space<vmem>>
      %dma_start3A_156 = arith.constant 0 : i32
      %dma_start3A_157 = arith.constant 0 : i32
      %dma_start3A_158 = tpu.memref_slice %arg17[%dma_start3A_156, %dma_start3A_157] : memref<10240x64xf32, #tpu.memory_space<vmem_shared>> -> memref<10240x64xf32, #tpu.memory_space<vmem_shared>>
      tpu.enqueue_indirect_dma source(%arg13 : memref<80x64xf32, #tpu.memory_space<vmem>>) target(%dma_start3A_158 : memref<10240x64xf32, #tpu.memory_space<vmem_shared>>) offsets(%dma_start3A_155 : memref<80xi32, #tpu.memory_space<vmem>>) semaphore(%arg22 : memref<!tpu.dma_semaphore, #tpu.memory_space<semaphore_mem>>) {add = true}
      %dma_start3A_159 = arith.constant 246 : i32
      %dma_start3A_160 = arith.constant 0 : i32
      %dma_start3A_161 = tpu.memref_slice %arg10[%dma_start3A_159, %dma_start3A_160] : memref<250x80xi32, #tpu.memory_space<vmem>> -> memref<1x80xi32, #tpu.memory_space<vmem>>
      %dma_start3A_162 = tpu.memref_squeeze %dma_start3A_161 : memref<1x80xi32, #tpu.memory_space<vmem>> -> memref<80xi32, #tpu.memory_space<vmem>>
      %dma_start3A_163 = arith.constant 0 : i32
      %dma_start3A_164 = tpu.memref_slice %arg18[%dma_start3A_163] : memref<10240xf32, #tpu.memory_space<vmem_shared>> -> memref<10240xf32, #tpu.memory_space<vmem_shared>>
      tpu.enqueue_indirect_dma source(%arg14 : memref<80xf32, #tpu.memory_space<vmem>>) target(%dma_start3A_164 : memref<10240xf32, #tpu.memory_space<vmem_shared>>) offsets(%dma_start3A_162 : memref<80xi32, #tpu.memory_space<vmem>>) semaphore(%arg23 : memref<!tpu.dma_semaphore, #tpu.memory_space<semaphore_mem>>) {add = true}
      %dma_start3A_165 = arith.constant 247 : i32
      %dma_start3A_166 = arith.constant 0 : i32
      %dma_start3A_167 = tpu.memref_slice %arg10[%dma_start3A_165, %dma_start3A_166] : memref<250x80xi32, #tpu.memory_space<vmem>> -> memref<1x80xi32, #tpu.memory_space<vmem>>
      %dma_start3A_168 = tpu.memref_squeeze %dma_start3A_167 : memref<1x80xi32, #tpu.memory_space<vmem>> -> memref<80xi32, #tpu.memory_space<vmem>>
      %dma_start3A_169 = arith.constant 0 : i32
      %dma_start3A_170 = tpu.memref_slice %arg18[%dma_start3A_169] : memref<10240xf32, #tpu.memory_space<vmem_shared>> -> memref<10240xf32, #tpu.memory_space<vmem_shared>>
      tpu.enqueue_indirect_dma source(%arg14 : memref<80xf32, #tpu.memory_space<vmem>>) target(%dma_start3A_170 : memref<10240xf32, #tpu.memory_space<vmem_shared>>) offsets(%dma_start3A_168 : memref<80xi32, #tpu.memory_space<vmem>>) semaphore(%arg23 : memref<!tpu.dma_semaphore, #tpu.memory_space<semaphore_mem>>) {add = true}
      %dma_start3A_171 = arith.constant 248 : i32
      %dma_start3A_172 = arith.constant 0 : i32
      %dma_start3A_173 = tpu.memref_slice %arg10[%dma_start3A_171, %dma_start3A_172] : memref<250x80xi32, #tpu.memory_space<vmem>> -> memref<1x80xi32, #tpu.memory_space<vmem>>
      %dma_start3A_174 = tpu.memref_squeeze %dma_start3A_173 : memref<1x80xi32, #tpu.memory_space<vmem>> -> memref<80xi32, #tpu.memory_space<vmem>>
      %dma_start3A_175 = arith.constant 0 : i32
      %dma_start3A_176 = tpu.memref_slice %arg18[%dma_start3A_175] : memref<10240xf32, #tpu.memory_space<vmem_shared>> -> memref<10240xf32, #tpu.memory_space<vmem_shared>>
      tpu.enqueue_indirect_dma source(%arg14 : memref<80xf32, #tpu.memory_space<vmem>>) target(%dma_start3A_176 : memref<10240xf32, #tpu.memory_space<vmem_shared>>) offsets(%dma_start3A_174 : memref<80xi32, #tpu.memory_space<vmem>>) semaphore(%arg23 : memref<!tpu.dma_semaphore, #tpu.memory_space<semaphore_mem>>) {add = true}
      %dma_start3A_177 = arith.constant 249 : i32
      %dma_start3A_178 = arith.constant 0 : i32
      %dma_start3A_179 = tpu.memref_slice %arg10[%dma_start3A_177, %dma_start3A_178] : memref<250x80xi32, #tpu.memory_space<vmem>> -> memref<1x80xi32, #tpu.memory_space<vmem>>
      %dma_start3A_180 = tpu.memref_squeeze %dma_start3A_179 : memref<1x80xi32, #tpu.memory_space<vmem>> -> memref<80xi32, #tpu.memory_space<vmem>>
      %dma_start3A_181 = arith.constant 0 : i32
      %dma_start3A_182 = tpu.memref_slice %arg18[%dma_start3A_181] : memref<10240xf32, #tpu.memory_space<vmem_shared>> -> memref<10240xf32, #tpu.memory_space<vmem_shared>>
      tpu.enqueue_indirect_dma source(%arg14 : memref<80xf32, #tpu.memory_space<vmem>>) target(%dma_start3A_182 : memref<10240xf32, #tpu.memory_space<vmem_shared>>) offsets(%dma_start3A_180 : memref<80xi32, #tpu.memory_space<vmem>>) semaphore(%arg23 : memref<!tpu.dma_semaphore, #tpu.memory_space<semaphore_mem>>) {add = true}
      %dma_wait3A_183 = arith.constant 248 : i32
      %dma_wait3A_184 = arith.constant 0 : i32
      %dma_wait3A_185 = tpu.memref_slice %arg10[%dma_wait3A_183, %dma_wait3A_184] : memref<250x80xi32, #tpu.memory_space<vmem>> -> memref<1x80xi32, #tpu.memory_space<vmem>>
      %dma_wait3A_186 = tpu.memref_squeeze %dma_wait3A_185 : memref<1x80xi32, #tpu.memory_space<vmem>> -> memref<80xi32, #tpu.memory_space<vmem>>
      %dma_wait3A_187 = arith.constant 0 : i32
      %dma_wait3A_188 = arith.constant 0 : i32
      %dma_wait3A_189 = tpu.memref_slice %arg17[%dma_wait3A_187, %dma_wait3A_188] : memref<10240x64xf32, #tpu.memory_space<vmem_shared>> -> memref<10240x64xf32, #tpu.memory_space<vmem_shared>>
      tpu.wait_indirect_dma semaphore(%arg21 : memref<!tpu.dma_semaphore, #tpu.memory_space<semaphore_mem>>) src(%arg12 : memref<80x64xf32, #tpu.memory_space<vmem>>) dst(%dma_wait3A_189 : memref<10240x64xf32, #tpu.memory_space<vmem_shared>>)
      %dma_wait3A_190 = arith.constant 249 : i32
      %dma_wait3A_191 = arith.constant 0 : i32
      %dma_wait3A_192 = tpu.memref_slice %arg10[%dma_wait3A_190, %dma_wait3A_191] : memref<250x80xi32, #tpu.memory_space<vmem>> -> memref<1x80xi32, #tpu.memory_space<vmem>>
      %dma_wait3A_193 = tpu.memref_squeeze %dma_wait3A_192 : memref<1x80xi32, #tpu.memory_space<vmem>> -> memref<80xi32, #tpu.memory_space<vmem>>
      %dma_wait3A_194 = arith.constant 0 : i32
      %dma_wait3A_195 = arith.constant 0 : i32
      %dma_wait3A_196 = tpu.memref_slice %arg17[%dma_wait3A_194, %dma_wait3A_195] : memref<10240x64xf32, #tpu.memory_space<vmem_shared>> -> memref<10240x64xf32, #tpu.memory_space<vmem_shared>>
      tpu.wait_indirect_dma semaphore(%arg22 : memref<!tpu.dma_semaphore, #tpu.memory_space<semaphore_mem>>) src(%arg13 : memref<80x64xf32, #tpu.memory_space<vmem>>) dst(%dma_wait3A_196 : memref<10240x64xf32, #tpu.memory_space<vmem_shared>>)
      %dma_wait3A_197 = arith.constant 0 : i32
      %dma_wait3A_198 = arith.constant 0 : i32
      %dma_wait3A_199 = arith.constant 0 : i32
      %dma_wait3A_200 = tpu.memref_slice %arg2[%dma_wait3A_197, %arg1, %dma_wait3A_198, %dma_wait3A_199] : memref<2x16x250x80xi32, #tpu.memory_space<hbm>> -> memref<1x1x250x80xi32, #tpu.memory_space<hbm>>
      %dma_wait3A_201 = tpu.memref_squeeze %dma_wait3A_200 : memref<1x1x250x80xi32, #tpu.memory_space<hbm>> -> memref<250x80xi32, #tpu.memory_space<hbm>>
      %dma_wait3A_202 = arith.constant 0 : i32
      %dma_wait3A_203 = arith.constant 0 : i32
      %dma_wait3A_204 = tpu.memref_slice %arg2[%dma_wait3A_197, %arg1, %dma_wait3A_202, %dma_wait3A_203] : memref<2x16x250x80xi32, #tpu.memory_space<hbm>> -> memref<1x1x250x80xi32, #tpu.memory_space<hbm>>
      %dma_wait3A_205 = tpu.memref_squeeze %dma_wait3A_204 : memref<1x1x250x80xi32, #tpu.memory_space<hbm>> -> memref<250x80xi32, #tpu.memory_space<hbm>>
      tpu.wait_dma2 semaphore(%arg23 : memref<!tpu.dma_semaphore, #tpu.memory_space<semaphore_mem>>) src(%dma_wait3A_205 : memref<250x80xi32, #tpu.memory_space<hbm>>) dst(%arg10 : memref<250x80xi32, #tpu.memory_space<vmem>>)
    } else {
    }
    %barrier3A_35 = arith.constant 0 : index
    tpu.barrier barrier_id(%barrier3A_35)
    %mul3A_36 = arith.constant 640 : i32
    %mul3A_37 = arith.muli %arg1, %mul3A_36 : i32
    %mul3A_38 = arith.constant 640 : i32
    %mul3A_39 = arith.muli %arg1, %mul3A_38 : i32
    %mul3A_40 = arith.constant 64 : i32
    %mul3A_41 = arith.muli %arg0, %mul3A_40 : i32
    "tpu.region"() ({
      %run_scoped3A_58 = tpu.sem_alloc : memref<!tpu.dma_semaphore, #tpu.memory_space<semaphore_mem>>
      %dma_start3A = tpu.memref_slice %arg7[%mul3A_39, %mul3A_41] : memref<10240x128xf32, #tpu.memory_space<hbm>> -> memref<640x64xf32, #tpu.memory_space<hbm>>
      %dma_start3A_59 = arith.constant 0 : i32
      %dma_start3A_60 = tpu.memref_slice %arg17[%mul3A_37, %dma_start3A_59] : memref<10240x64xf32, #tpu.memory_space<vmem_shared>> -> memref<640x64xf32, #tpu.memory_space<vmem_shared>>
      tpu.enqueue_dma source(%dma_start3A_60 : memref<640x64xf32, #tpu.memory_space<vmem_shared>>) target(%dma_start3A : memref<640x64xf32, #tpu.memory_space<hbm>>) target_semaphore(%run_scoped3A_58 : memref<!tpu.dma_semaphore, #tpu.memory_space<semaphore_mem>>)
      %dma_wait3A = tpu.memref_slice %arg7[%mul3A_39, %mul3A_41] : memref<10240x128xf32, #tpu.memory_space<hbm>> -> memref<640x64xf32, #tpu.memory_space<hbm>>
      %dma_wait3A_61 = arith.constant 0 : i32
      %dma_wait3A_62 = tpu.memref_slice %arg17[%mul3A_37, %dma_wait3A_61] : memref<10240x64xf32, #tpu.memory_space<vmem_shared>> -> memref<640x64xf32, #tpu.memory_space<vmem_shared>>
      tpu.wait_dma2 semaphore(%run_scoped3A_58 : memref<!tpu.dma_semaphore, #tpu.memory_space<semaphore_mem>>) src(%dma_wait3A_62 : memref<640x64xf32, #tpu.memory_space<vmem_shared>>) dst(%dma_wait3A : memref<640x64xf32, #tpu.memory_space<hbm>>)
      tpu.yield
    }) : () -> ()
    "tpu.region"() ({
      %run_scoped3A_58 = tpu.sem_alloc : memref<!tpu.dma_semaphore, #tpu.memory_space<semaphore_mem>>
      tpu.enqueue_dma source(%arg18 : memref<10240xf32, #tpu.memory_space<vmem_shared>>) target(%arg15 : memref<10240xf32, #tpu.memory_space<vmem>>) target_semaphore(%run_scoped3A_58 : memref<!tpu.dma_semaphore, #tpu.memory_space<semaphore_mem>>)
      tpu.wait_dma2 semaphore(%run_scoped3A_58 : memref<!tpu.dma_semaphore, #tpu.memory_space<semaphore_mem>>) src(%arg18 : memref<10240xf32, #tpu.memory_space<vmem_shared>>) dst(%arg15 : memref<10240xf32, #tpu.memory_space<vmem>>)
      tpu.yield
    }) : () -> ()
    %scan3A = arith.constant 0 : i32
    %scan3A_42 = arith.constant 640 : i32
    %scan3A_43 = arith.addi %scan3A, %scan3A_42 : i32
    %scan3A_44 = arith.constant 1 : i32
    scf.for %scan3A_58 = %scan3A to %scan3A_43 step %scan3A_44  : i32 {
      %mul3A_59 = arith.constant 1 : i32
      %mul3A_60 = arith.muli %scan3A_58, %mul3A_59 : i32
      %add3A_61 = arith.constant 0 : i32
      %add3A_62 = arith.addi %add3A_61, %mul3A_60 : i32
      %mul3A_63 = arith.constant 16 : i32
      %mul3A_64 = arith.muli %add3A_62, %mul3A_63 : i32
      %get3A = arith.index_cast %mul3A_64 : i32 to index
      %get3A_65 = tpu.vector_load %arg15[%get3A] {strides = array<i32>} : memref<10240xf32, #tpu.memory_space<vmem>>, vector<16xf32>,
      %add3A_66 = arith.constant 9.99999996E-13 : f32
      %add3A_67 = vector.broadcast %add3A_66 : f32 to vector<16xf32>
      %add3A_68 = arith.addf %get3A_65, %add3A_67 : vector<16xf32>
      %div3A = arith.constant 1.000000e+00 : f32
      %div3A_69 = vector.broadcast %div3A : f32 to vector<16xf32>
      %div3A_70 = arith.divf %div3A_69, %add3A_68 : vector<16xf32>
      %swap3A_71 = arith.index_cast %mul3A_64 : i32 to index
      %swap3A_72 = tpu.vector_load %arg15[%swap3A_71] {strides = array<i32>} : memref<10240xf32, #tpu.memory_space<vmem>>, vector<16xf32>,
      tpu.vector_store %arg15[%swap3A_71], %div3A_70 {strides = array<i32>} : memref<10240xf32, #tpu.memory_space<vmem>>, vector<16xf32>,
    }
    %scan3A_45 = arith.constant 640 : i32
    %eq3A_46 = arith.constant 0 : i32
    %eq3A_47 = arith.cmpi eq, %arg0, %eq3A_46 : i32
    %convert_element_type3A_48 = arith.extui %eq3A_47 : i1 to i32
    %cond3A_49 = arith.constant 0 : i32
    %cond3A_50 = arith.cmpi ne, %convert_element_type3A_48, %cond3A_49 : i32
    scf.if %cond3A_50 {
      %mul3A_58 = arith.constant 640 : i32
      %mul3A_59 = arith.muli %arg1, %mul3A_58 : i32
      %mul3A_60 = arith.constant 640 : i32
      %mul3A_61 = arith.muli %arg1, %mul3A_60 : i32
      "tpu.region"() ({
        %run_scoped3A_62 = tpu.sem_alloc : memref<!tpu.dma_semaphore, #tpu.memory_space<semaphore_mem>>
        %dma_start3A = tpu.memref_slice %arg15[%mul3A_59] : memref<10240xf32, #tpu.memory_space<vmem>> -> memref<640xf32, #tpu.memory_space<vmem>>
        %dma_start3A_63 = tpu.memref_slice %arg9[%mul3A_61] : memref<10240xf32, #tpu.memory_space<hbm>> -> memref<640xf32, #tpu.memory_space<hbm>>
        %dma_start3A_64 = tpu.memref_slice %arg9[%mul3A_61] : memref<10240xf32, #tpu.memory_space<hbm>> -> memref<640xf32, #tpu.memory_space<hbm>>
        %dma_start3A_65 = tpu.memref_slice %arg15[%mul3A_59] : memref<10240xf32, #tpu.memory_space<vmem>> -> memref<640xf32, #tpu.memory_space<vmem>>
        tpu.enqueue_dma source(%dma_start3A_65 : memref<640xf32, #tpu.memory_space<vmem>>) target(%dma_start3A_64 : memref<640xf32, #tpu.memory_space<hbm>>) target_semaphore(%run_scoped3A_62 : memref<!tpu.dma_semaphore, #tpu.memory_space<semaphore_mem>>)
        %dma_wait3A = tpu.memref_slice %arg15[%mul3A_59] : memref<10240xf32, #tpu.memory_space<vmem>> -> memref<640xf32, #tpu.memory_space<vmem>>
        %dma_wait3A_66 = tpu.memref_slice %arg9[%mul3A_61] : memref<10240xf32, #tpu.memory_space<hbm>> -> memref<640xf32, #tpu.memory_space<hbm>>
        %dma_wait3A_67 = tpu.memref_slice %arg9[%mul3A_61] : memref<10240xf32, #tpu.memory_space<hbm>> -> memref<640xf32, #tpu.memory_space<hbm>>
        %dma_wait3A_68 = tpu.memref_slice %arg15[%mul3A_59] : memref<10240xf32, #tpu.memory_space<vmem>> -> memref<640xf32, #tpu.memory_space<vmem>>
        tpu.wait_dma2 semaphore(%run_scoped3A_62 : memref<!tpu.dma_semaphore, #tpu.memory_space<semaphore_mem>>) src(%dma_wait3A_68 : memref<640xf32, #tpu.memory_space<vmem>>) dst(%dma_wait3A_67 : memref<640xf32, #tpu.memory_space<hbm>>)
        tpu.yield
      }) : () -> ()
    } else {
    }
    %scan3A_51 = arith.constant 0 : i32
    %scan3A_52 = arith.constant 125 : i32
    %scan3A_53 = arith.addi %scan3A_51, %scan3A_52 : i32
    %scan3A_54 = arith.constant 1 : i32
    scf.for %scan3A_58 = %scan3A_51 to %scan3A_53 step %scan3A_54  : i32 {
      %mul3A_59 = arith.constant 1 : i32
      %mul3A_60 = arith.muli %scan3A_58, %mul3A_59 : i32
      %add3A_61 = arith.constant 0 : i32
      %add3A_62 = arith.addi %add3A_61, %mul3A_60 : i32
      %mul3A_63 = arith.constant 125 : i32
      %mul3A_64 = arith.muli %arg0, %mul3A_63 : i32
      %add3A_65 = arith.addi %mul3A_64, %add3A_62 : i32
      %get3A = arith.index_cast %add3A_65 : i32 to index
      %get3A_66 = arith.constant 0 : index
      %get3A_67 = tpu.vector_load %arg10[%get3A, %get3A_66] {strides = array<i32>} : memref<250x80xi32, #tpu.memory_space<vmem>>, vector<16xi32>,
      %gather3A = tpu.vector_load_idx %arg15[%get3A_67] : memref<10240xf32, #tpu.memory_space<vmem>>[vector<16xi32>], vector<16xf32>,
      %mul3A_68 = arith.constant 80 : i32
      %mul3A_69 = arith.muli %add3A_62, %mul3A_68 : i32
      %add3A_70 = arith.constant 0 : i32
      %add3A_71 = arith.addi %mul3A_69, %add3A_70 : i32
      %swap3A_72 = arith.index_cast %add3A_71 : i32 to index
      %swap3A_73 = tpu.vector_load %arg16[%swap3A_72] {strides = array<i32>} : memref<10000xf32, #tpu.memory_space<vmem>>, vector<16xf32>,
      tpu.vector_store %arg16[%swap3A_72], %gather3A {strides = array<i32>} : memref<10000xf32, #tpu.memory_space<vmem>>, vector<16xf32>,
      %mul3A_74 = arith.constant 125 : i32
      %mul3A_75 = arith.muli %arg0, %mul3A_74 : i32
      %add3A_76 = arith.addi %mul3A_75, %add3A_62 : i32
      %get3A_77 = arith.index_cast %add3A_76 : i32 to index
      %get3A_78 = arith.constant 16 : index
      %get3A_79 = tpu.vector_load %arg10[%get3A_77, %get3A_78] {strides = array<i32>} : memref<250x80xi32, #tpu.memory_space<vmem>>, vector<16xi32>,
      %gather3A_80 = tpu.vector_load_idx %arg15[%get3A_79] : memref<10240xf32, #tpu.memory_space<vmem>>[vector<16xi32>], vector<16xf32>,
      %mul3A_81 = arith.constant 80 : i32
      %mul3A_82 = arith.muli %add3A_62, %mul3A_81 : i32
      %add3A_83 = arith.constant 16 : i32
      %add3A_84 = arith.addi %mul3A_82, %add3A_83 : i32
      %swap3A_85 = arith.index_cast %add3A_84 : i32 to index
      %swap3A_86 = tpu.vector_load %arg16[%swap3A_85] {strides = array<i32>} : memref<10000xf32, #tpu.memory_space<vmem>>, vector<16xf32>,
      tpu.vector_store %arg16[%swap3A_85], %gather3A_80 {strides = array<i32>} : memref<10000xf32, #tpu.memory_space<vmem>>, vector<16xf32>,
      %mul3A_87 = arith.constant 125 : i32
      %mul3A_88 = arith.muli %arg0, %mul3A_87 : i32
      %add3A_89 = arith.addi %mul3A_88, %add3A_62 : i32
      %get3A_90 = arith.index_cast %add3A_89 : i32 to index
      %get3A_91 = arith.constant 32 : index
      %get3A_92 = tpu.vector_load %arg10[%get3A_90, %get3A_91] {strides = array<i32>} : memref<250x80xi32, #tpu.memory_space<vmem>>, vector<16xi32>,
      %gather3A_93 = tpu.vector_load_idx %arg15[%get3A_92] : memref<10240xf32, #tpu.memory_space<vmem>>[vector<16xi32>], vector<16xf32>,
      %mul3A_94 = arith.constant 80 : i32
      %mul3A_95 = arith.muli %add3A_62, %mul3A_94 : i32
      %add3A_96 = arith.constant 32 : i32
      %add3A_97 = arith.addi %mul3A_95, %add3A_96 : i32
      %swap3A_98 = arith.index_cast %add3A_97 : i32 to index
      %swap3A_99 = tpu.vector_load %arg16[%swap3A_98] {strides = array<i32>} : memref<10000xf32, #tpu.memory_space<vmem>>, vector<16xf32>,
      tpu.vector_store %arg16[%swap3A_98], %gather3A_93 {strides = array<i32>} : memref<10000xf32, #tpu.memory_space<vmem>>, vector<16xf32>,
      %mul3A_100 = arith.constant 125 : i32
      %mul3A_101 = arith.muli %arg0, %mul3A_100 : i32
      %add3A_102 = arith.addi %mul3A_101, %add3A_62 : i32
      %get3A_103 = arith.index_cast %add3A_102 : i32 to index
      %get3A_104 = arith.constant 48 : index
      %get3A_105 = tpu.vector_load %arg10[%get3A_103, %get3A_104] {strides = array<i32>} : memref<250x80xi32, #tpu.memory_space<vmem>>, vector<16xi32>,
      %gather3A_106 = tpu.vector_load_idx %arg15[%get3A_105] : memref<10240xf32, #tpu.memory_space<vmem>>[vector<16xi32>], vector<16xf32>,
      %mul3A_107 = arith.constant 80 : i32
      %mul3A_108 = arith.muli %add3A_62, %mul3A_107 : i32
      %add3A_109 = arith.constant 48 : i32
      %add3A_110 = arith.addi %mul3A_108, %add3A_109 : i32
      %swap3A_111 = arith.index_cast %add3A_110 : i32 to index
      %swap3A_112 = tpu.vector_load %arg16[%swap3A_111] {strides = array<i32>} : memref<10000xf32, #tpu.memory_space<vmem>>, vector<16xf32>,
      tpu.vector_store %arg16[%swap3A_111], %gather3A_106 {strides = array<i32>} : memref<10000xf32, #tpu.memory_space<vmem>>, vector<16xf32>,
      %mul3A_113 = arith.constant 125 : i32
      %mul3A_114 = arith.muli %arg0, %mul3A_113 : i32
      %add3A_115 = arith.addi %mul3A_114, %add3A_62 : i32
      %get3A_116 = arith.index_cast %add3A_115 : i32 to index
      %get3A_117 = arith.constant 64 : index
      %get3A_118 = tpu.vector_load %arg10[%get3A_116, %get3A_117] {strides = array<i32>} : memref<250x80xi32, #tpu.memory_space<vmem>>, vector<16xi32>,
      %gather3A_119 = tpu.vector_load_idx %arg15[%get3A_118] : memref<10240xf32, #tpu.memory_space<vmem>>[vector<16xi32>], vector<16xf32>,
      %mul3A_120 = arith.constant 80 : i32
      %mul3A_121 = arith.muli %add3A_62, %mul3A_120 : i32
      %add3A_122 = arith.constant 64 : i32
      %add3A_123 = arith.addi %mul3A_121, %add3A_122 : i32
      %swap3A_124 = arith.index_cast %add3A_123 : i32 to index
      %swap3A_125 = tpu.vector_load %arg16[%swap3A_124] {strides = array<i32>} : memref<10000xf32, #tpu.memory_space<vmem>>, vector<16xf32>,
      tpu.vector_store %arg16[%swap3A_124], %gather3A_119 {strides = array<i32>} : memref<10000xf32, #tpu.memory_space<vmem>>, vector<16xf32>,
    }
    %scan3A_55 = arith.constant 125 : i32
    %mul3A_56 = arith.constant 10000 : i32
    %mul3A_57 = arith.muli %add3A, %mul3A_56 : i32
    "tpu.region"() ({
      %run_scoped3A_58 = tpu.sem_alloc : memref<!tpu.dma_semaphore, #tpu.memory_space<semaphore_mem>>
      %dma_start3A = tpu.memref_slice %arg8[%mul3A_57] : memref<320000xf32, #tpu.memory_space<hbm>> -> memref<10000xf32, #tpu.memory_space<hbm>>
      %dma_start3A_59 = tpu.memref_slice %arg8[%mul3A_57] : memref<320000xf32, #tpu.memory_space<hbm>> -> memref<10000xf32, #tpu.memory_space<hbm>>
      tpu.enqueue_dma source(%arg16 : memref<10000xf32, #tpu.memory_space<vmem>>) target(%dma_start3A_59 : memref<10000xf32, #tpu.memory_space<hbm>>) target_semaphore(%run_scoped3A_58 : memref<!tpu.dma_semaphore, #tpu.memory_space<semaphore_mem>>)
      %dma_wait3A = tpu.memref_slice %arg8[%mul3A_57] : memref<320000xf32, #tpu.memory_space<hbm>> -> memref<10000xf32, #tpu.memory_space<hbm>>
      %dma_wait3A_60 = tpu.memref_slice %arg8[%mul3A_57] : memref<320000xf32, #tpu.memory_space<hbm>> -> memref<10000xf32, #tpu.memory_space<hbm>>
      tpu.wait_dma2 semaphore(%run_scoped3A_58 : memref<!tpu.dma_semaphore, #tpu.memory_space<semaphore_mem>>) src(%arg16 : memref<10000xf32, #tpu.memory_space<vmem>>) dst(%dma_wait3A_60 : memref<10000xf32, #tpu.memory_space<hbm>>)
      tpu.yield
    }) : () -> ()
    return
  }
}

module attributes {stable_mosaic.version = 14 : i64} {
  func.func @_mlp_body(%arg0: i32, %arg1: memref<2000x128xf32, #tpu.memory_space<vmem>>, %arg2: memref<128x128xf32, #tpu.memory_space<vmem>>, %arg3: memref<1x128xf32, #tpu.memory_space<vmem>>, %arg4: memref<128x128xf32, #tpu.memory_space<vmem>>, %arg5: memref<1x128xf32, #tpu.memory_space<vmem>>, %arg6: memref<2000x64xf32, #tpu.memory_space<vmem>>, %arg7: memref<2000x64xf32, #tpu.memory_space<vmem>>) attributes {dimension_semantics = [#tpu.dimension_semantics<arbitrary>], iteration_bounds = array<i64: 5>, scalar_prefetch = 0 : i64, scratch_operands = 0 : i64, tpu.core_type = #tpu.core_type<tc>, window_params = [{transform_indices = @transform_0, window_bounds = array<i64: 2000, 128>}, {pipeline_mode = #tpu.pipeline_mode<synchronous>, transform_indices = @transform_1, window_bounds = array<i64: 128, 128>}, {pipeline_mode = #tpu.pipeline_mode<synchronous>, transform_indices = @transform_2, window_bounds = array<i64: 1, 128>}, {pipeline_mode = #tpu.pipeline_mode<synchronous>, transform_indices = @transform_3, window_bounds = array<i64: 128, 128>}, {pipeline_mode = #tpu.pipeline_mode<synchronous>, transform_indices = @transform_4, window_bounds = array<i64: 1, 128>}, {transform_indices = @transform_5, window_bounds = array<i64: 2000, 64>}, {transform_indices = @transform_6, window_bounds = array<i64: 2000, 64>}]} {
    %get3A = arith.constant 0 : index
    %get3A_0 = arith.constant 0 : index
    %get3A_1 = vector.load %arg1[%get3A, %get3A_0] : memref<2000x128xf32, #tpu.memory_space<vmem>>, vector<2000x128xf32>
    %get3A_2 = arith.constant 0 : index
    %get3A_3 = arith.constant 0 : index
    %get3A_4 = vector.load %arg2[%get3A_2, %get3A_3] : memref<128x128xf32, #tpu.memory_space<vmem>>, vector<128x128xf32>
    %dot_general3A = arith.constant dense<0.000000e+00> : vector<2000x128xf32>
    %dot_general3A_5 = tpu.matmul %get3A_1, %get3A_4, %dot_general3A {dimension_numbers = #tpu.dot_dimension_numbers<[1], [0], [0], [1], [0, 0, 1, 1], [], []>, transpose_lhs_hint = false} : vector<2000x128xf32>, vector<128x128xf32>, vector<2000x128xf32> -> vector<2000x128xf32>
    %get3A_6 = arith.constant 0 : index
    %get3A_7 = arith.constant 0 : index
    %get3A_8 = vector.load %arg3[%get3A_6, %get3A_7] : memref<1x128xf32, #tpu.memory_space<vmem>>, vector<1x128xf32>
    %add3A = vector.broadcast %get3A_8 : vector<1x128xf32> to vector<2000x128xf32>
    %add3A_9 = arith.addf %dot_general3A_5, %add3A : vector<2000x128xf32>
    %max3A = arith.constant 0.000000e+00 : f32
    %max3A_10 = vector.broadcast %max3A : f32 to vector<2000x128xf32>
    %max3A_11 = arith.maximumf %add3A_9, %max3A_10 : vector<2000x128xf32>
    %get3A_12 = arith.constant 0 : index
    %get3A_13 = arith.constant 0 : index
    %get3A_14 = vector.load %arg4[%get3A_12, %get3A_13] : memref<128x128xf32, #tpu.memory_space<vmem>>, vector<128x128xf32>
    %dot_general3A_15 = arith.constant dense<0.000000e+00> : vector<2000x128xf32>
    %dot_general3A_16 = tpu.matmul %max3A_11, %get3A_14, %dot_general3A_15 {dimension_numbers = #tpu.dot_dimension_numbers<[1], [0], [0], [1], [0, 0, 1, 1], [], []>, transpose_lhs_hint = false} : vector<2000x128xf32>, vector<128x128xf32>, vector<2000x128xf32> -> vector<2000x128xf32>
    %get3A_17 = arith.constant 0 : index
    %get3A_18 = arith.constant 0 : index
    %get3A_19 = vector.load %arg5[%get3A_17, %get3A_18] : memref<1x128xf32, #tpu.memory_space<vmem>>, vector<1x128xf32>
    %add3A_20 = vector.broadcast %get3A_19 : vector<1x128xf32> to vector<2000x128xf32>
    %add3A_21 = arith.addf %dot_general3A_16, %add3A_20 : vector<2000x128xf32>
    %slice3A = vector.extract_strided_slice %add3A_21 {offsets = [0, 0], sizes = [2000, 64], strides = [1, 1]} : vector<2000x128xf32> to vector<2000x64xf32>
    %swap3A = arith.constant 0 : index
    %swap3A_22 = arith.constant 0 : index
    %swap3A_23 = vector.load %arg6[%swap3A, %swap3A_22] : memref<2000x64xf32, #tpu.memory_space<vmem>>, vector<2000x64xf32>
    tpu.vector_store %arg6[%swap3A, %swap3A_22], %slice3A {strides = array<i32>} : memref<2000x64xf32, #tpu.memory_space<vmem>>, vector<2000x64xf32>,
    %slice3A_24 = vector.extract_strided_slice %add3A_21 {offsets = [0, 64], sizes = [2000, 64], strides = [1, 1]} : vector<2000x128xf32> to vector<2000x64xf32>
    %swap3A_25 = arith.constant 0 : index
    %swap3A_26 = arith.constant 0 : index
    %swap3A_27 = vector.load %arg7[%swap3A_25, %swap3A_26] : memref<2000x64xf32, #tpu.memory_space<vmem>>, vector<2000x64xf32>
    tpu.vector_store %arg7[%swap3A_25, %swap3A_26], %slice3A_24 {strides = array<i32>} : memref<2000x64xf32, #tpu.memory_space<vmem>>, vector<2000x64xf32>,
    return
  }
  func.func @transform_0(%arg0: i32) -> (i32, i32) {
    %c0_i32 = arith.constant 0 : i32
    %c0_i32_0 = arith.constant 0 : i32
    return %arg0, %c0_i32 : i32, i32
  }
  func.func @transform_1(%arg0: i32) -> (i32, i32) {
    %c0_i32 = arith.constant 0 : i32
    %c0_i32_0 = arith.constant 0 : i32
    %c0_i32_1 = arith.constant 0 : i32
    return %c0_i32, %c0_i32_0 : i32, i32
  }
  func.func @transform_2(%arg0: i32) -> (i32, i32) {
    %c0_i32 = arith.constant 0 : i32
    %c0_i32_0 = arith.constant 0 : i32
    %c0_i32_1 = arith.constant 0 : i32
    return %c0_i32, %c0_i32_0 : i32, i32
  }
  func.func @transform_3(%arg0: i32) -> (i32, i32) {
    %c0_i32 = arith.constant 0 : i32
    %c0_i32_0 = arith.constant 0 : i32
    %c0_i32_1 = arith.constant 0 : i32
    return %c0_i32, %c0_i32_0 : i32, i32
  }
  func.func @transform_4(%arg0: i32) -> (i32, i32) {
    %c0_i32 = arith.constant 0 : i32
    %c0_i32_0 = arith.constant 0 : i32
    %c0_i32_1 = arith.constant 0 : i32
    return %c0_i32, %c0_i32_0 : i32, i32
  }
  func.func @transform_5(%arg0: i32) -> (i32, i32) {
    %c0_i32 = arith.constant 0 : i32
    %c0_i32_0 = arith.constant 0 : i32
    return %arg0, %c0_i32 : i32, i32
  }
  func.func @transform_6(%arg0: i32) -> (i32, i32) {
    %c0_i32 = arith.constant 0 : i32
    %c0_i32_0 = arith.constant 0 : i32
    return %arg0, %c0_i32 : i32, i32
  }
}

module attributes {stable_mosaic.version = 14 : i64} {
  func.func @_ln_body(%arg0: i32, %arg1: memref<2000x128xf32, #tpu.memory_space<vmem>>, %arg2: memref<2000x128xf32, #tpu.memory_space<vmem>>, %arg3: memref<2000x1xf32, #tpu.memory_space<vmem>>, %arg4: memref<1x128xf32, #tpu.memory_space<vmem>>, %arg5: memref<1x128xf32, #tpu.memory_space<vmem>>, %arg6: memref<2000x128xf32, #tpu.memory_space<vmem>>) attributes {dimension_semantics = [#tpu.dimension_semantics<arbitrary>], iteration_bounds = array<i64: 5>, scalar_prefetch = 0 : i64, scratch_operands = 0 : i64, tpu.core_type = #tpu.core_type<tc>, window_params = [{transform_indices = @transform_0, window_bounds = array<i64: 2000, 128>}, {transform_indices = @transform_1, window_bounds = array<i64: 2000, 128>}, {transform_indices = @transform_2, window_bounds = array<i64: 2000, 1>}, {pipeline_mode = #tpu.pipeline_mode<synchronous>, transform_indices = @transform_3, window_bounds = array<i64: 1, 128>}, {pipeline_mode = #tpu.pipeline_mode<synchronous>, transform_indices = @transform_4, window_bounds = array<i64: 1, 128>}, {transform_indices = @transform_5, window_bounds = array<i64: 2000, 128>}]} {
    %get3A = arith.constant 0 : index
    %get3A_0 = arith.constant 0 : index
    %get3A_1 = vector.load %arg1[%get3A, %get3A_0] : memref<2000x128xf32, #tpu.memory_space<vmem>>, vector<2000x128xf32>
    %get3A_2 = arith.constant 0 : index
    %get3A_3 = arith.constant 0 : index
    %get3A_4 = vector.load %arg2[%get3A_2, %get3A_3] : memref<2000x128xf32, #tpu.memory_space<vmem>>, vector<2000x128xf32>
    %get3A_5 = arith.constant 0 : index
    %get3A_6 = arith.constant 0 : index
    %get3A_7 = vector.load %arg3[%get3A_5, %get3A_6] : memref<2000x1xf32, #tpu.memory_space<vmem>>, vector<2000x1xf32>
    %mul3A = vector.broadcast %get3A_7 : vector<2000x1xf32> to vector<2000x128xf32>
    %mul3A_8 = arith.mulf %get3A_4, %mul3A : vector<2000x128xf32>
    %add3A = arith.addf %get3A_1, %mul3A_8 : vector<2000x128xf32>
    %reduce_sum3A = arith.constant dense<0.000000e+00> : vector<2000xf32>
    %reduce_sum3A_9 = vector.multi_reduction <add>, %add3A, %reduce_sum3A [1] : vector<2000x128xf32> to vector<2000xf32>
    %broadcast_in_dim3A = vector.shape_cast %reduce_sum3A_9 : vector<2000xf32> to vector<2000x1xf32>
    %div3A = arith.constant 1.280000e+02 : f32
    %div3A_10 = vector.broadcast %div3A : f32 to vector<2000x1xf32>
    %div3A_11 = arith.divf %broadcast_in_dim3A, %div3A_10 : vector<2000x1xf32>
    %sub3A = vector.broadcast %div3A_11 : vector<2000x1xf32> to vector<2000x128xf32>
    %sub3A_12 = arith.subf %add3A, %sub3A : vector<2000x128xf32>
    %mul3A_13 = arith.mulf %sub3A_12, %sub3A_12 : vector<2000x128xf32>
    %reduce_sum3A_14 = arith.constant dense<0.000000e+00> : vector<2000xf32>
    %reduce_sum3A_15 = vector.multi_reduction <add>, %mul3A_13, %reduce_sum3A_14 [1] : vector<2000x128xf32> to vector<2000xf32>
    %broadcast_in_dim3A_16 = vector.shape_cast %reduce_sum3A_15 : vector<2000xf32> to vector<2000x1xf32>
    %div3A_17 = arith.constant 1.280000e+02 : f32
    %div3A_18 = vector.broadcast %div3A_17 : f32 to vector<2000x1xf32>
    %div3A_19 = arith.divf %broadcast_in_dim3A_16, %div3A_18 : vector<2000x1xf32>
    %add3A_20 = arith.constant 9.99999974E-6 : f32
    %add3A_21 = vector.broadcast %add3A_20 : f32 to vector<2000x1xf32>
    %add3A_22 = arith.addf %div3A_19, %add3A_21 : vector<2000x1xf32>
    %rsqrt3A = math.rsqrt %add3A_22 : vector<2000x1xf32>
    %mul3A_23 = vector.broadcast %rsqrt3A : vector<2000x1xf32> to vector<2000x128xf32>
    %mul3A_24 = arith.mulf %sub3A_12, %mul3A_23 : vector<2000x128xf32>
    %get3A_25 = arith.constant 0 : index
    %get3A_26 = arith.constant 0 : index
    %get3A_27 = vector.load %arg4[%get3A_25, %get3A_26] : memref<1x128xf32, #tpu.memory_space<vmem>>, vector<1x128xf32>
    %mul3A_28 = vector.broadcast %get3A_27 : vector<1x128xf32> to vector<2000x128xf32>
    %mul3A_29 = arith.mulf %mul3A_24, %mul3A_28 : vector<2000x128xf32>
    %get3A_30 = arith.constant 0 : index
    %get3A_31 = arith.constant 0 : index
    %get3A_32 = vector.load %arg5[%get3A_30, %get3A_31] : memref<1x128xf32, #tpu.memory_space<vmem>>, vector<1x128xf32>
    %add3A_33 = vector.broadcast %get3A_32 : vector<1x128xf32> to vector<2000x128xf32>
    %add3A_34 = arith.addf %mul3A_29, %add3A_33 : vector<2000x128xf32>
    %swap3A = arith.constant 0 : index
    %swap3A_35 = arith.constant 0 : index
    %swap3A_36 = vector.load %arg6[%swap3A, %swap3A_35] : memref<2000x128xf32, #tpu.memory_space<vmem>>, vector<2000x128xf32>
    tpu.vector_store %arg6[%swap3A, %swap3A_35], %add3A_34 {strides = array<i32>} : memref<2000x128xf32, #tpu.memory_space<vmem>>, vector<2000x128xf32>,
    return
  }
  func.func @transform_0(%arg0: i32) -> (i32, i32) {
    %c0_i32 = arith.constant 0 : i32
    %c0_i32_0 = arith.constant 0 : i32
    return %arg0, %c0_i32 : i32, i32
  }
  func.func @transform_1(%arg0: i32) -> (i32, i32) {
    %c0_i32 = arith.constant 0 : i32
    %c0_i32_0 = arith.constant 0 : i32
    return %arg0, %c0_i32 : i32, i32
  }
  func.func @transform_2(%arg0: i32) -> (i32, i32) {
    %c0_i32 = arith.constant 0 : i32
    %c0_i32_0 = arith.constant 0 : i32
    return %arg0, %c0_i32 : i32, i32
  }
  func.func @transform_3(%arg0: i32) -> (i32, i32) {
    %c0_i32 = arith.constant 0 : i32
    %c0_i32_0 = arith.constant 0 : i32
    %c0_i32_1 = arith.constant 0 : i32
    return %c0_i32, %c0_i32_0 : i32, i32
  }
  func.func @transform_4(%arg0: i32) -> (i32, i32) {
    %c0_i32 = arith.constant 0 : i32
    %c0_i32_0 = arith.constant 0 : i32
    %c0_i32_1 = arith.constant 0 : i32
    return %c0_i32, %c0_i32_0 : i32, i32
  }
  func.func @transform_5(%arg0: i32) -> (i32, i32) {
    %c0_i32 = arith.constant 0 : i32
    %c0_i32_0 = arith.constant 0 : i32
    return %arg0, %c0_i32 : i32, i32
  }
}

</mosaic_0001>

<sc_bundles>
// kernel: kernel.5.cloned.1.call-start
scs
__scs_entry_jumppad:
0x0: {  	(pc) =	sbr.rel $0x88, $3  }
0x1: {  	(tag) =	ssettag $0x0;
	lr =	simm.s32 $0x1  }
0x2: {  	[smem:$0x3F99] =	sst lr;
	_ =	strace $0xD0000000  }
0x3: {  	_ = 	snop  }
0x4: {  	_ = 	snop  }
0x5: {  	_ = 	snop  }
0x6: {  	_ = 	snop  }
0x7: {  	_ = 	snop  }
__scs_overlays_trampoline_lowered:
0x8: {  	[smem:$0x3FA8] =	sst s0  }
0x9: {  	[smem:$0x3FA9] =	sst s1  }
0xa: {  	[smem:$0x3FAA] =	sst s2  }
0xb: {  	[smem:$0x3FAB] =	sst s3  }
0xc: {  	[smem:$0x3FAC] =	sst s4  }
0xd: {  	[smem:$0x3FAD] =	sst s5  }
0xe: {  	[smem:$0x3FAE] =	sst s6  }
0xf: {  	[smem:$0x3FAF] =	sst s7  }
0x10: {  	[smem:$0x3FB0] =	sst s8  }
0x11: {  	[smem:$0x3FB1] =	sst s9;
	s0 =	simm.s32 @!p0 $0x0  }
0x12: {  	s1 =	sld [smem:$0x3F97];
	s0 =	simm.s32 @p0 $0x1  }
0x13: {  	[smem:$0x3FB2] =	sst s0;
	s0 =	simm.s32 @!p1 $0x0  }
0x14: {  	s2 =	sld [smem:$0x3F96];
	s0 =	simm.s32 @p1 $0x1  }
0x15: {  	[smem:$0x3FB3] =	sst s0;
	s0 =	simm.s32 @!p2 $0x0  }
0x16: {  	s3 =	sld [smem:$0x3FDB];
	s0 =	simm.s32 @p2 $0x1  }
0x17: {  	s4 =	simm.s32 $0x1BF5;
	[smem:$0x3FB5] =	sst s0  }
0x18: {  	s0 =	sld [smem:$0x3F98];
	_ =	swait.ge [sflag:s4], $0x0  }
0x19: {  	s7 =	sld [smem:$0x3F99]  }
0x1a: {  	s8 =	sadd.s32 $0xFFFFE003, lr  }
0x1b: {  	s9 =	sadd.s32 $0xFFFFFEF7, lr;
	s5 =	simm.s32 $0xFFFFFFFF;
	p2 =	slt.u32 s8, $0xFFFFF086  }
0x1c: {  	p1 =	slt.u32 s9, $0xF7A;
	s5 =	simm.s32 @!p2 $0x0  }
0x1d: {  	s5 =	simm.s32 @p1 $0x1;
	p0 =	seq.s32 s7, s2  }
0x1e: {  	s7 =	smul.u32 @!p0 $0xF7A, s2;
	p2 =	seq.s32 @!p0 s5, $0x0  }
0x1f: {  	s9 =	smul.u32 $0xF7A, s1;
	s8 =	simm.s32 @!p0 $0x1BF5;
	p2 =	por !p2, p0  }
0x20: {  	[sflag:s8] =	ssyncset.s32 @!p0 $0xFFFFF086;
	s6 =	sadd.s32 @!p0 s3, s7;
	s7 =	simm.s32 @!p0 $0x108  }
0x21: {  	s3 =	sadd.s32 s3, s9;
	s6 =	sadd.s32 @!p0 $0x88, s6;
	s7 =	simm.s32 @p2 $0x1082  }
0x22: {  	[simem:s7], [sflag:s8] =	dma.local @!p0 [hbm:s6], $0xF7A  }
0x23: {  	s9 =	sor.u32 $0xD0000000, s2;
	s6 =	simm.s32 $0x108;
	_ =	swait.ge @!p0 [sflag:s8], $0x0  }
0x24: {  	s3 =	sadd.s32 $0x88, s3;
	s6 =	simm.s32 @!p1 $0x1082;
	[sflag:s4] =	ssyncset.s32 $0xFFFFF086  }
0x25: {  	[simem:s6], [sflag:s4] =	dma.local [hbm:s3], $0xF7A  }
0x26: {  	[smem:$0x3F99] =	sst s1;
	(tag) =	ssettag s2;
	_ =	strace s9  }
0x27: {  	s1 =	sld [smem:$0x3FA9]  }
0x28: {  	s2 =	sld [smem:$0x3FAA]  }
0x29: {  	s4 =	sld [smem:$0x3FAC]  }
0x2a: {  	p0 =	seq.s32 s5, $0x0;
	s5 =	sld [smem:$0x3FAD]  }
0x2b: {  	s6 =	sld [smem:$0x3FAE]  }
0x2c: {  	s7 =	sld [smem:$0x3FAF]  }
0x2d: {  	s3 =	simm.s32 $0x108;
	s8 =	sld [smem:$0x3FB0]  }
0x2e: {  	s3 =	simm.s32 @!p0 $0x1082;
	s9 =	sld [smem:$0x3FB1]  }
0x2f: {  	lr =	sadd.s32 s0, s3;
	s0 =	sld [smem:$0x3FA8]  }
0x30: {  	s3 =	sld [smem:$0x3FAB]  }
0x31: {  	[smem:$0x3FB4] =	sst s10  }
0x32: {  	s10 =	sld [smem:$0x3FB2];
	_ =	sdelay $0x3  }
0x33: {  	p0 =	seq.s32 s10, $0x1;
	s10 =	sld [smem:$0x3FB4];
	_ =	sdelay $0x3  }
0x34: {  	[smem:$0x3FB4] =	sst s10  }
0x35: {  	s10 =	sld [smem:$0x3FB3];
	_ =	sdelay $0x3  }
0x36: {  	p1 =	seq.s32 s10, $0x1;
	s10 =	sld [smem:$0x3FB4];
	_ =	sdelay $0x3  }
0x37: {  	[smem:$0x3FB4] =	sst s10  }
0x38: {  	s10 =	sld [smem:$0x3FB5]  }
0x39: {  	_ = 	snop;
	(pc) =	sbr.ind lr, $3  }
0x3a: {  	_ = 	snop  }
0x3b: {  	_ = 	snop  }
0x3c: {  	p2 =	seq.s32 s10, $0x1;
	s10 =	sld [smem:$0x3FB4]  }
0x3d: {  	_ =	shalt  }
0x3e: {  	_ =	shalt  }
0x3f: {  	_ =	shalt  }
0x40: {  	_ =	shalt  }
0x41: {  	_ =	shalt  }
0x42: {  	_ =	shalt  }
0x43: {  	_ =	shalt  }
0x44: {  	_ =	shalt  }
0x45: {  	_ =	shalt  }
0x46: {  	_ =	shalt  }
0x47: {  	_ =	shalt  }
0x48: {  	_ =	shalt  }
0x49: {  	_ =	shalt  }
0x4a: {  	_ =	shalt  }
0x4b: {  	_ =	shalt  }
0x4c: {  	_ =	shalt  }
0x4d: {  	_ =	shalt  }
0x4e: {  	_ =	shalt  }
0x4f: {  	_ =	shalt  }
0x50: {  	_ =	shalt  }
0x51: {  	_ =	shalt  }
0x52: {  	_ =	shalt  }
0x53: {  	_ =	shalt  }
0x54: {  	_ =	shalt  }
0x55: {  	_ =	shalt  }
0x56: {  	_ =	shalt  }
0x57: {  	_ =	shalt  }
0x58: {  	_ =	shalt  }
0x59: {  	_ =	shalt  }
0x5a: {  	_ =	shalt  }
0x5b: {  	_ =	shalt  }
0x5c: {  	_ =	shalt  }
0x5d: {  	_ =	shalt  }
0x5e: {  	_ =	shalt  }
0x5f: {  	_ =	shalt  }
0x60: {  	_ =	shalt  }
0x61: {  	_ =	shalt  }
0x62: {  	_ =	shalt  }
0x63: {  	_ =	shalt  }
0x64: {  	_ =	shalt  }
0x65: {  	_ =	shalt  }
0x66: {  	_ =	shalt  }
0x67: {  	_ =	shalt  }
0x68: {  	_ =	shalt  }
0x69: {  	_ =	shalt  }
0x6a: {  	_ =	shalt  }
0x6b: {  	_ =	shalt  }
0x6c: {  	_ =	shalt  }
0x6d: {  	_ =	shalt  }
0x6e: {  	_ =	shalt  }
0x6f: {  	_ =	shalt  }
0x70: {  	_ =	shalt  }
0x71: {  	_ =	shalt  }
0x72: {  	_ =	shalt  }
0x73: {  	_ =	shalt  }
0x74: {  	_ =	shalt  }
0x75: {  	_ =	shalt  }
0x76: {  	_ =	shalt  }
0x77: {  	_ =	shalt  }
0x78: {  	_ =	shalt  }
0x79: {  	_ =	shalt  }
0x7a: {  	_ =	shalt  }
0x7b: {  	_ =	shalt  }
0x7c: {  	_ =	shalt  }
0x7d: {  	_ =	shalt  }
0x7e: {  	_ =	shalt  }
0x7f: {  	_ =	shalt  }
0x80: {  	_ =	shalt  }
0x81: {  	_ =	shalt  }
0x82: {  	_ =	shalt  }
0x83: {  	_ =	shalt  }
0x84: {  	_ =	shalt  }
0x85: {  	_ =	shalt  }
0x86: {  	_ =	shalt  }
0x87: {  	_ =	shalt  }
.Lfunc_end0:
.L_simem_size_0:
called_computation_lowered:
.L_overlay_start_0:
0x88: {  	s2 =	sld [smem:$0x3FD9]  }
0x89: {  	s3 =	sld [smem:$0x3FFE];
	_ =	sdelay $0x1  }
0x8a: {  	s1 =	srdreg.scid  }
0x8b: {  	s0 =	sand.u32 $0x1, s1  }
0x8c: {  	s14 =	sshll.u32 s0, $0xA;
	s2 =	sadd.s32 s3, s2  }
0x8d: {  	s2 =	sadd.s32 s2, s14  }
0x8e: {  	[smem:$0x3FC0] =	sst s2  }
0x8f: {  	_ = 	snop  }
0x90: {  	s2 =	sld [smem:$0x3FD0];
	_ =	sdelay $0x2  }
0x91: {  	s15 =	simm.s32 $0xA;
	s4 =	simm.s32 $0x10  }
0x92: {  	[smem:s4], [sflag:s15] =	dma.local [hbm:s2], $0x1  }
0x93: {  	_ =	swait.eq [sflag:s15], $0x1  }
0x94: {  	[sflag:s15] =	ssyncset.done $0x0  }
0x95: {  	s16 =	sld [smem:$0x10];
	[sflag:s15] =	ssyncadd.s32 $0xFFFFFFFF  }
0x96: {  	s17 =	sld [smem:$0x11];
	(tm) =	ssettm $0x1  }
0x97: {  	s18 =	sld [smem:$0x3FFB];
	_ =	sdelay $0x3  }
0x98: {  	_ =	strace s18  }
0x99: {  	s4 =	sld [smem:$0x3FFC];
	_ =	sdelay $0x3  }
0x9a: {  	_ =	strace s4  }
0x9b: {  	s4 =	sld [smem:$0x3FFD];
	_ =	sdelay $0x3  }
0x9c: {  	_ =	strace s4  }
0x9d: {  	_ =	strace $0x8FFFFFFF  }
0x9e: {  	s19 =	sld [smem:$0x3FDB];
	_ =	sdelay $0x1  }
0x9f: {  	s5 =	simm.s32 $_scs_section_size  }
0xa0: {  	s6 =	simm.s32 $_size__tile_overlayer_lowered;
	s7 =	simm.s32 $_tile_overlayer_lowered  }
0xa1: {  	s22 =	simm.s32 $0x1BFF;
	s21 =	sshll.u32 s7, $0x1;
	s4 =	sadd.s32 s5, s19  }
0xa2: {  	s8 =	simm.s32 $0x0;
	s20 =	sshll.u32 s6, $0x1;
	s6 =	sadd.s32 s21, s4  }
0xa3: {  	[timem:s8], [sflag:s22] =	dma.local [hbm:s6], s20  }
0xa4: {  	_ =	swait.ge [sflag:s22], s20  }
0xa5: {  	s5 =	ssub.s32 $0x0, s20;
	[sflag:s22] =	ssyncset.done $0x0  }
0xa6: {  	[sflag:s22] =	ssyncadd.s32 s5;
	_ =	sdelay $0x1  }
0xa7: {  	s23 =	simm.s32 $0x1B8B  }
0xa8: {  	_ =	swait.ge [sflag:s23], $0x1  }
0xa9: {  	[sflag:s23] =	ssyncset.done $0x0  }
0xaa: {  	s25 =	simm.s32 $0x1B8E;
	s24 =	sld [smem:$0x3FFE];
	[sflag:s23] =	ssyncadd.s32 $0xFFFFFFFF  }
0xab: {  	s26 =	simm.s32 $execute0_lowered;
	[smem:$0x3FD2] =	sst s25  }
0xac: {  	s6 =	sshll.u32 s26, $0x1;
	_ =	strace $0x80000046;
	[dreg:$0x1] =	wrdreg $0xFFFFFFFF  }
0xad: {  	s28 =	simm.s32 $_size_execute0_lowered;
	s4 =	sadd.s32 s4, s6;
	[dreg:$0x0] =	wrdreg $0x0  }
0xae: {  	s6 =	sshll.u32 s28, $0x1;
	[dreg:$0x2] =	wrdreg s4  }
0xaf: {  	[dreg:$0x3] =	wrdreg s6  }
0xb0: {  	[dreg:$0x4] =	wrdreg $0xC0  }
0xb1: {  	_ =	task [dreg:s8], $0x5FFFF  }
0xb2: {  	[dreg:$0x1] =	wrdreg $0xFFFFFFFF  }
0xb3: {  	[dreg:$0x0] =	wrdreg $0x60  }
0xb4: {  	[dreg:$0x2] =	wrdreg s24  }
0xb5: {  	[dreg:$0x3] =	wrdreg s16  }
0xb6: {  	[dreg:$0x4] =	wrdreg s17  }
0xb7: {  	[dreg:$0x5] =	wrdreg $0x113A00  }
0xb8: {  	[dreg:$0x6] =	wrdreg $0x1B3A00  }
0xb9: {  	[dreg:$0x7] =	wrdreg $0x9  }
0xba: {  	_ =	task.clear_ibuf [dreg:s8], $0x8FFFF;
	_ =	strace $0x90000046  }
0xbb: {  	s29 =	simm.s32 $0x9;
	_ =	strace $0x80000048  }
0xbc: {  	_ =	swait.ge [sflag:s29], $0x1  }
0xbd: {  	[sflag:s29] =	ssyncadd.s32 $0xFFFFFFFF  }
0xbe: {  	_ =	strace $0x90000048  }
0xbf: {  	_ =	sfence  }
0xc0: {  	s30 =	sld [smem:$0x0];
	_ =	sdelay $0x2  }
0xc1: {  	s31 =	sshll.u32 s1, $0xD;
	s1 =	sshrl.u32 s1, $0x2  }
0xc2: {  	s3 =	sand.u32 $0x4000, s31;
	s1 =	sadd.s32 s1, s30  }
0xc3: {  	s0 =	sor.u32 s3, s0;
	s1 =	sshll.u32 s1, $0x11  }
0xc4: {  	s0 =	sor.u32 s1, s0  }
0xc5: {  	s0 =	sadd.s32 $0x8F2B, s0  }
0xc6: {  	[sflag:s0] =	ssyncadd.remote.s32 $0x1  }
0xc7: {  	_ =	sfence.sel $0xFFFF  }
0xc8: {  	[dreg:$0x0] =	wrdreg $0xFFFFFFFF;
	(pc) =	sbr.abs _section_cstart, $3  }
0xc9: {  	[dreg:$0x1] =	wrdreg $0xFFFFFFFF  }
0xca: {  	_ =	task.clear_ibuf [dreg:s8], $0x2FFFF;
	_ =	strace $0x9FFFFFFF  }
0xcb: {  	(tm) =	ssettm $0x7FFFFFFF  }
tec
execute0_lowered:
.L_overlay_start_1:
0x0: {  	(tag) =	ssettag $0x1  }
0x1: {  	s0 =	rddreg [dreg:$0x0]  }
0x2: {  	s1 =	rddreg [dreg:$0x1]  }
0x3: {  	s7 =	rddreg [dreg:$0x2]  }
0x4: {  	s2 =	rddreg [dreg:$0x3]  }
0x5: {  	s3 =	rddreg [dreg:$0x4]  }
0x6: {  	s4 =	simm.s32 $0x0;
	s18 =	stileid.u32;
	s6 =	srdreg.scid  }
0x7: {  	s17 =	simm.s32 $0x4E20;
	s28 =	simm.s32 $0xC440;
	s29 =	simm.s32 $0x3  }
0x8: {  	s30 =	simm.s32 $0x4;
	s31 =	simm.s32 $0x4CE0;
	s5 =	smul.u32 $0x4E20, s18  }
0x9: {  	[smem:$0x7FF] =	sst s4;
	s8 =	sand.u32 $0x1, s6;
	s9 =	smul.u32 $0x14000, s18  }
0xa: {  	s13 =	smul.u32 $0x280, s18;
	s6 =	sadd.s32 $0x2400, s0;
	s22 =	sshll.u32 s18, $0x1  }
0xb: {  	s14 =	smul.u32 $0xA000, s18;
	_ =	strace $0x80000047;
	s11 =	sshll.u32 s8, $0x6  }
0xc: {  	s12 =	ssub.s32 $0x2, s8;
	s16 =	smul.u32 $0x9C40, s8;
	p0 =	sne.s32 s8, $0x0  }
0xd: {  	s5 =	sshrl.u32 s5, $0x3;
	s9 =	sor.u32 s11, s9;
	s20 =	sshrl.u32 s13, $0x3  }
0xe: {  	s21 =	sshrl.u32 s12, $0x1;
	s23 =	sadd.s32 s14, s2;
	s14 =	sshrl.u32 s14, $0x3  }
0xf: {  	s25 =	sadd.s32 s13, s3;
	s13 =	sadd.s32 $0xC490, s13;
	s10 =	sadd.s32 s5, s0  }
0x10: {  	s5 =	sadd.s32 $0x15E00, s0;
	s9 =	sshrl.u32 s9, $0x3;
	s11 =	ssub.s32 s12, s21  }
0x11: {  	s12 =	sor.u32 s8, s22;
	s1 =	sadd.s32 s1, s14;
	s19 =	sshrl.u32 s23, $0x3  }
0x12: {  	s21 =	simm.s32 $0x50;
	s22 =	simm.s32 $0x9C40;
	s23 =	simm.s32 $0x4DD0  }
0x13: {  	s8 =	simm.s32 $0xC490;
	s9 =	sadd.s32 s9, s0;
	s0 =	sadd.s32 s20, s0  }
0x14: {  	s15 =	sadd.s32 $0x29800, s10;
	s10 =	sadd.s32 $0x33440, s10;
	[dreg:$0x8] =	wrdreg s1  }
0x15: {  	s24 =	smul.u32 $0x4E2, s12;
	s20 =	sshrl.u32 s25, $0x3;
	[dreg:$0x6] =	wrdreg s15  }
0x16: {  	s25 =	simm.s32 $0x1;
	[dreg:$0x7] =	wrdreg s10;
	s9 =	sadd.s32 $0x3DE00, s9  }
0x17: {  	s26 =	sadd.s32 $0x3D200, s0;
	[dreg:$0xa] =	wrdreg s9;
	s9 =	sshrl.u32 s16, $0x2  }
0x18: {  	s0 =	sadd.s32 $0x3D800, s0;
	[dreg:$0x9] =	wrdreg s26;
	s12 =	sadd.s32 $0x20, s9  }
0x19: {  	s1 =	simm.s32 $0x4D80;
	s15 =	smax.u32 s11, $0x1;
	[dreg:$0xb] =	wrdreg s0;
	v0 =	vmov s12  }
0x1a: {  	s14 =	sadd.s32 s7, s24;
	s16 =	simm.s32 $0x6;
	s26 =	sshll.u32 s18, $0x6  }
0x1b: {  	s24 =	simm.s32 $0xB040;
	s0 =	simm.s32 $0x4D30;
	s7 =	simm.s32 $0x5  }
0x1c: {  	v1 =	vimm.f32 $1.000000000e+00;
	s18 =	sor.u32 $0x1C06, s26;
	s26 =	simm.s32 $0x2;
	s9 =	simm.s32 $0x0  }
.LBB2_1:
0x1d: {  	s10 =	rddreg [dreg:$0x6]  }
0x1e: {  	[tilespmem:s4], [sflag:$0x6] =	stream.linear.gather [hbm4b:s10+s4], $0x4E20, $0x38;
	[tilespmem:$0x1B620] =	vst v63  }
0x1f: {  	_ =	swait.ge [sflag:s16], $0x4E20  }
0x20: {  	[sflag:s16] =	ssyncset.done $0x0  }
0x21: {  	s12 =	rddreg [dreg:$0x7];
	[sflag:s16] =	ssyncadd.s32 $0xFFFFB1E0  }
0x22: {  	[tilespmem:s17], [sflag:$0x6] =	stream.linear.gather [hbm4b:s12+s4], $0x4E20, $0x38;
	[tilespmem:$0x1B620] =	vst v63  }
0x23: {  	_ =	swait.ge [sflag:s16], $0x4E20  }
0x24: {  	[sflag:s16] =	ssyncset.done $0x0  }
0x25: {  	s11 =	rddreg [dreg:$0x8];
	[sflag:s16] =	ssyncadd.s32 $0xFFFFB1E0  }
0x26: {  	[spmem:s19], [sflag:s18] =	dma.local [hbm:s11], $0x1400  }
0x27: {  	_ =	swait.ge [sflag:s16], $0x1400  }
0x28: {  	[sflag:s16] =	ssyncset.done $0x0  }
0x29: {  	s12 =	rddreg [dreg:$0x9];
	[sflag:s16] =	ssyncadd.s32 $0xFFFFEC00  }
0x2a: {  	[spmem:s20], [sflag:s18] =	dma.local [hbm:s12], $0x50  }
0x2b: {  	_ =	swait.ge [sflag:s16], $0x50  }
0x2c: {  	[sflag:s16] =	ssyncset.done $0x0  }
0x2d: {  	[sflag:s16] =	ssyncadd.s32 $0xFFFFFFB0  }
0x2e: {  	[tilespmem:$0xC440] =	vst v1  }
0x2f: {  	[tilespmem:$0xC450] =	vst v1  }
.Ltmp0:
0x30: {  	[tilespmem:$0xC460] =	vst v1;
	(pc) =	sbr.rel @p0 .LBB2_5-.Ltmp0, $3  }
0x31: {  	[tilespmem:$0xC470] =	vst v1  }
0x32: {  	[tilespmem:$0xC480] =	vst v1  }
0x33: {  	[bflag:$0x0] =	sbarrier.arrive $0xFFFF;
	_ =	sdelay $0x1  }
0x34: {  	[tilespmem:s22], [sflag:$0x1] =	stream.indirect.gather [hbm4b:s5+s21], $0x40, s17, s21, $0xb8;
	[tilespmem:$0x1B620] =	vst v63  }
0x35: {  	s10 =	simm.s32 $0x4E70  }
0x36: {  	[tilespmem:s24], [sflag:$0x2] =	stream.indirect.gather [hbm4b:s5+s21], $0x40, s10, s21, $0xb8;
	[tilespmem:$0x1B620] =	vst v63  }
0x37: {  	_ =	swait.ge [sflag:s25], $0x1400  }
0x38: {  	[sflag:s25] =	ssyncset.done $0x0  }
0x39: {  	s12 =	simm.s32 $0x0;
	[sflag:s25] =	ssyncadd.s32 $0xFFFFEC00  }
0x3a: {  	[spmem:s2] =	stream.indirect.scatter.add.f32 [tilespmem:s22], [sflag:$0x3], $0x40, s12, s21, $0xb8;
	[tilespmem:$0x1B620] =	vst v63  }
0x3b: {  	_ =	swait.ge [sflag:s26], $0x1400  }
0x3c: {  	[sflag:s26] =	ssyncset.done $0x0  }
0x3d: {  	s11 =	simm.s32 $0x50;
	[sflag:s26] =	ssyncadd.s32 $0xFFFFEC00  }
0x3e: {  	[spmem:s2] =	stream.indirect.scatter.add.f32 [tilespmem:s24], [sflag:$0x4], $0x40, s11, s21, $0xb8;
	[tilespmem:$0x1B620] =	vst v63  }
0x3f: {  	_ = 	snop  }
0x40: {  	[spmem:s3] =	stream.indirect.scatter.add.f32 [tilespmem:s28], [sflag:$0x5], $0x1, s12, s21, $0xb8;
	[tilespmem:$0x1B620] =	vst v63  }
0x41: {  	_ = 	snop  }
0x42: {  	[spmem:s3] =	stream.indirect.scatter.add.f32 [tilespmem:s28], [sflag:$0x5], $0x1, s11, s21, $0xb8;
	[tilespmem:$0x1B620] =	vst v63  }
0x43: {  	_ =	swait.ge [sflag:s29], $0x1400  }
0x44: {  	[sflag:s29] =	ssyncset.done $0x0  }
0x45: {  	s12 =	simm.s32 $0x4EC0;
	[sflag:s29] =	ssyncadd.s32 $0xFFFFEC00  }
0x46: {  	[tilespmem:s22], [sflag:$0x1] =	stream.indirect.gather [hbm4b:s5+s21], $0x40, s12, s21, $0xb8;
	[tilespmem:$0x1B620] =	vst v63  }
0x47: {  	_ =	swait.ge [sflag:s30], $0x1400  }
0x48: {  	[sflag:s30] =	ssyncset.done $0x0  }
0x49: {  	s10 =	simm.s32 $0x280;
	s11 =	simm.s32 $0x4F10;
	[sflag:s30] =	ssyncadd.s32 $0xFFFFEC00  }
.LBB2_3:
0x4a: {  	[tilespmem:s24], [sflag:$0x2] =	stream.indirect.gather [hbm4b:s5+s21], $0x40, s11, s21, $0xb8;
	[tilespmem:$0x1B620] =	vst v63  }
0x4b: {  	s11 =	smov.u32 s10  }
0x4c: {  	p1 =	seq.s32 s10, $0x13100;
	s10 =	sadd.s32 $0x280, s10;
	_ =	swait.ge [sflag:s25], $0x1400  }
0x4d: {  	[sflag:s25] =	ssyncset.done $0x0  }
0x4e: {  	s11 =	sshra.s32 s11, $0x2;
	[sflag:s25] =	ssyncadd.s32 $0xFFFFEC00  }
0x4f: {  	[spmem:s2] =	stream.indirect.scatter.add.f32 [tilespmem:s22], [sflag:$0x3], $0x40, s11, s21, $0xb8;
	[tilespmem:$0x1B620] =	vst v63  }
0x50: {  	_ =	swait.ge [sflag:s26], $0x1400  }
0x51: {  	[sflag:s26] =	ssyncset.done $0x0  }
0x52: {  	s12 =	sadd.s32 $0x50, s11;
	[sflag:s26] =	ssyncadd.s32 $0xFFFFEC00  }
0x53: {  	[spmem:s2] =	stream.indirect.scatter.add.f32 [tilespmem:s24], [sflag:$0x4], $0x40, s12, s21, $0xb8;
	[tilespmem:$0x1B620] =	vst v63  }
0x54: {  	_ = 	snop  }
0x55: {  	[spmem:s3] =	stream.indirect.scatter.add.f32 [tilespmem:s28], [sflag:$0x5], $0x1, s11, s21, $0xb8;
	[tilespmem:$0x1B620] =	vst v63  }
0x56: {  	_ = 	snop  }
0x57: {  	[spmem:s3] =	stream.indirect.scatter.add.f32 [tilespmem:s28], [sflag:$0x5], $0x1, s12, s21, $0xb8;
	[tilespmem:$0x1B620] =	vst v63  }
0x58: {  	_ =	swait.ge [sflag:s29], $0x1400  }
0x59: {  	[sflag:s29] =	ssyncset.done $0x0  }
.Ltmp1:
0x5a: {  	s12 =	sadd.s32 $0x4EC0, s11;
	[sflag:s29] =	ssyncadd.s32 $0xFFFFEC00;
	(pc) =	sbr.rel @!p1 .LBB2_3-.Ltmp1, $4  }
0x5b: {  	[tilespmem:s22], [sflag:$0x1] =	stream.indirect.gather [hbm4b:s5+s21], $0x40, s12, s21, $0xb8;
	[tilespmem:$0x1B620] =	vst v63  }
0x5c: {  	_ =	swait.ge [sflag:s30], $0x1400  }
0x5d: {  	[sflag:s30] =	ssyncset.done $0x0  }
0x5e: {  	s11 =	sadd.s32 $0x4F10, s11;
	[sflag:s30] =	ssyncadd.s32 $0xFFFFEC00  }
.Ltmp2:
0x5f: {  	(pc) =	sbr.rel .LBB2_8-.Ltmp2, $3  }
0x60: {  	_ =	sdelay $0x1  }
0x61: {  	[tilespmem:s24], [sflag:$0x2] =	stream.indirect.gather [hbm4b:s5+s21], $0x40, s11, s21, $0xb8;
	[tilespmem:$0x1B620] =	vst v63  }
0x62: {  	s10 =	smov.u32 s5  }
.LBB2_5:
0x63: {  	[tilespmem:s22], [sflag:$0x1] =	stream.indirect.gather [hbm4b:s6+s21], $0x40, s17, s21, $0xb8;
	[tilespmem:$0x1B620] =	vst v63  }
0x64: {  	s10 =	simm.s32 $0x4E70  }
0x65: {  	[tilespmem:s24], [sflag:$0x2] =	stream.indirect.gather [hbm4b:s6+s21], $0x40, s10, s21, $0xb8;
	[tilespmem:$0x1B620] =	vst v63  }
0x66: {  	_ =	swait.ge [sflag:s25], $0x1400  }
0x67: {  	[sflag:s25] =	ssyncset.done $0x0  }
0x68: {  	s12 =	simm.s32 $0x0;
	[sflag:s25] =	ssyncadd.s32 $0xFFFFEC00  }
0x69: {  	[spmem:s2] =	stream.indirect.scatter.add.f32 [tilespmem:s22], [sflag:$0x3], $0x40, s12, s21, $0xb8;
	[tilespmem:$0x1B620] =	vst v63  }
0x6a: {  	_ =	swait.ge [sflag:s26], $0x1400  }
0x6b: {  	[sflag:s26] =	ssyncset.done $0x0  }
0x6c: {  	s11 =	simm.s32 $0x50;
	[sflag:s26] =	ssyncadd.s32 $0xFFFFEC00  }
0x6d: {  	[spmem:s2] =	stream.indirect.scatter.add.f32 [tilespmem:s24], [sflag:$0x4], $0x40, s11, s21, $0xb8;
	[tilespmem:$0x1B620] =	vst v63  }
0x6e: {  	_ = 	snop  }
0x6f: {  	[spmem:s3] =	stream.indirect.scatter.add.f32 [tilespmem:s28], [sflag:$0x5], $0x1, s12, s21, $0xb8;
	[tilespmem:$0x1B620] =	vst v63  }
0x70: {  	_ = 	snop  }
0x71: {  	[spmem:s3] =	stream.indirect.scatter.add.f32 [tilespmem:s28], [sflag:$0x5], $0x1, s11, s21, $0xb8;
	[tilespmem:$0x1B620] =	vst v63  }
0x72: {  	_ =	swait.ge [sflag:s29], $0x1400  }
0x73: {  	[sflag:s29] =	ssyncset.done $0x0  }
0x74: {  	s12 =	simm.s32 $0x4EC0;
	[sflag:s29] =	ssyncadd.s32 $0xFFFFEC00  }
0x75: {  	[tilespmem:s22], [sflag:$0x1] =	stream.indirect.gather [hbm4b:s6+s21], $0x40, s12, s21, $0xb8;
	[tilespmem:$0x1B620] =	vst v63  }
0x76: {  	_ =	swait.ge [sflag:s30], $0x1400  }
0x77: {  	[sflag:s30] =	ssyncset.done $0x0  }
0x78: {  	s10 =	simm.s32 $0x280;
	s11 =	simm.s32 $0x4F10;
	[sflag:s30] =	ssyncadd.s32 $0xFFFFEC00  }
.LBB2_6:
0x79: {  	[tilespmem:s24], [sflag:$0x2] =	stream.indirect.gather [hbm4b:s6+s21], $0x40, s11, s21, $0xb8;
	[tilespmem:$0x1B620] =	vst v63  }
0x7a: {  	s11 =	smov.u32 s10  }
0x7b: {  	p1 =	sne.s32 s10, $0x13100;
	s10 =	sadd.s32 $0x280, s10;
	_ =	swait.ge [sflag:s25], $0x1400  }
0x7c: {  	[sflag:s25] =	ssyncset.done $0x0  }
0x7d: {  	s11 =	sshra.s32 s11, $0x2;
	[sflag:s25] =	ssyncadd.s32 $0xFFFFEC00  }
0x7e: {  	[spmem:s2] =	stream.indirect.scatter.add.f32 [tilespmem:s22], [sflag:$0x3], $0x40, s11, s21, $0xb8;
	[tilespmem:$0x1B620] =	vst v63  }
0x7f: {  	_ =	swait.ge [sflag:s26], $0x1400  }
0x80: {  	[sflag:s26] =	ssyncset.done $0x0  }
0x81: {  	s12 =	sadd.s32 $0x50, s11;
	[sflag:s26] =	ssyncadd.s32 $0xFFFFEC00  }
0x82: {  	[spmem:s2] =	stream.indirect.scatter.add.f32 [tilespmem:s24], [sflag:$0x4], $0x40, s12, s21, $0xb8;
	[tilespmem:$0x1B620] =	vst v63  }
0x83: {  	_ = 	snop  }
0x84: {  	[spmem:s3] =	stream.indirect.scatter.add.f32 [tilespmem:s28], [sflag:$0x5], $0x1, s11, s21, $0xb8;
	[tilespmem:$0x1B620] =	vst v63  }
0x85: {  	_ = 	snop  }
0x86: {  	[spmem:s3] =	stream.indirect.scatter.add.f32 [tilespmem:s28], [sflag:$0x5], $0x1, s12, s21, $0xb8;
	[tilespmem:$0x1B620] =	vst v63  }
0x87: {  	_ =	swait.ge [sflag:s29], $0x1400  }
0x88: {  	[sflag:s29] =	ssyncset.done $0x0  }
.Ltmp3:
0x89: {  	s12 =	sadd.s32 $0x4EC0, s11;
	[sflag:s29] =	ssyncadd.s32 $0xFFFFEC00;
	(pc) =	sbr.rel @p1 .LBB2_6-.Ltmp3, $4  }
0x8a: {  	[tilespmem:s22], [sflag:$0x1] =	stream.indirect.gather [hbm4b:s6+s21], $0x40, s12, s21, $0xb8;
	[tilespmem:$0x1B620] =	vst v63  }
0x8b: {  	_ =	swait.ge [sflag:s30], $0x1400  }
0x8c: {  	[sflag:s30] =	ssyncset.done $0x0  }
0x8d: {  	s11 =	sadd.s32 $0x4F10, s11;
	[sflag:s30] =	ssyncadd.s32 $0xFFFFEC00  }
0x8e: {  	[tilespmem:s24], [sflag:$0x2] =	stream.indirect.gather [hbm4b:s6+s21], $0x40, s11, s21, $0xb8;
	[tilespmem:$0x1B620] =	vst v63  }
0x8f: {  	s10 =	smov.u32 s6  }
.LBB2_8:
0x90: {  	_ =	swait.ge [sflag:s25], $0x1400  }
0x91: {  	[sflag:s25] =	ssyncset.done $0x0  }
0x92: {  	[sflag:s25] =	ssyncadd.s32 $0xFFFFEC00  }
0x93: {  	[spmem:s2] =	stream.indirect.scatter.add.f32 [tilespmem:s22], [sflag:$0x3], $0x40, s31, s21, $0xb8;
	[tilespmem:$0x1B620] =	vst v63  }
0x94: {  	_ =	swait.ge [sflag:s26], $0x1400  }
0x95: {  	[sflag:s26] =	ssyncset.done $0x0  }
0x96: {  	[sflag:s26] =	ssyncadd.s32 $0xFFFFEC00  }
0x97: {  	[spmem:s2] =	stream.indirect.scatter.add.f32 [tilespmem:s24], [sflag:$0x4], $0x40, s0, s21, $0xb8;
	[tilespmem:$0x1B620] =	vst v63  }
0x98: {  	_ =	swait.ge [sflag:s29], $0x1400  }
0x99: {  	[sflag:s29] =	ssyncset.done $0x0  }
0x9a: {  	s11 =	simm.s32 $0x9BA0;
	[sflag:s29] =	ssyncadd.s32 $0xFFFFEC00  }
0x9b: {  	[tilespmem:s22], [sflag:$0x1] =	stream.indirect.gather [hbm4b:s10+s21], $0x40, s11, s21, $0xb8;
	[tilespmem:$0x1B620] =	vst v63  }
0x9c: {  	_ =	swait.ge [sflag:s30], $0x1400  }
0x9d: {  	[sflag:s30] =	ssyncset.done $0x0  }
0x9e: {  	s12 =	simm.s32 $0x9BF0;
	[sflag:s30] =	ssyncadd.s32 $0xFFFFEC00  }
0x9f: {  	[tilespmem:s24], [sflag:$0x2] =	stream.indirect.gather [hbm4b:s10+s21], $0x40, s12, s21, $0xb8;
	[tilespmem:$0x1B620] =	vst v63  }
0xa0: {  	_ =	swait.ge [sflag:s25], $0x1400  }
0xa1: {  	[sflag:s25] =	ssyncset.done $0x0  }
0xa2: {  	[sflag:s25] =	ssyncadd.s32 $0xFFFFEC00  }
0xa3: {  	[spmem:s2] =	stream.indirect.scatter.add.f32 [tilespmem:s22], [sflag:$0x3], $0x40, s1, s21, $0xb8;
	[tilespmem:$0x1B620] =	vst v63  }
0xa4: {  	_ =	swait.ge [sflag:s26], $0x1400  }
0xa5: {  	[sflag:s26] =	ssyncset.done $0x0  }
0xa6: {  	[sflag:s26] =	ssyncadd.s32 $0xFFFFEC00  }
0xa7: {  	[spmem:s2] =	stream.indirect.scatter.add.f32 [tilespmem:s24], [sflag:$0x4], $0x40, s23, s21, $0xb8;
	[tilespmem:$0x1B620] =	vst v63  }
0xa8: {  	_ = 	snop  }
0xa9: {  	[spmem:s3] =	stream.indirect.scatter.add.f32 [tilespmem:s28], [sflag:$0x5], $0x1, s31, s21, $0xb8;
	[tilespmem:$0x1B620] =	vst v63  }
0xaa: {  	_ = 	snop  }
0xab: {  	[spmem:s3] =	stream.indirect.scatter.add.f32 [tilespmem:s28], [sflag:$0x5], $0x1, s0, s21, $0xb8;
	[tilespmem:$0x1B620] =	vst v63  }
0xac: {  	_ = 	snop  }
0xad: {  	[spmem:s3] =	stream.indirect.scatter.add.f32 [tilespmem:s28], [sflag:$0x5], $0x1, s1, s21, $0xb8;
	[tilespmem:$0x1B620] =	vst v63  }
0xae: {  	_ = 	snop  }
0xaf: {  	[spmem:s3] =	stream.indirect.scatter.add.f32 [tilespmem:s28], [sflag:$0x5], $0x1, s23, s21, $0xb8;
	[tilespmem:$0x1B620] =	vst v63  }
0xb0: {  	_ =	swait.ge [sflag:s29], $0x1400  }
0xb1: {  	[sflag:s29] =	ssyncset.done $0x0  }
0xb2: {  	[sflag:s29] =	ssyncadd.s32 $0xFFFFEC00  }
0xb3: {  	_ =	swait.ge [sflag:s30], $0x1400  }
0xb4: {  	[sflag:s30] =	ssyncset.done $0x0  }
0xb5: {  	[sflag:s30] =	ssyncadd.s32 $0xFFFFEC00  }
0xb6: {  	_ =	swait.ge [sflag:s7], $0x4E20  }
0xb7: {  	[sflag:s7] =	ssyncset.done $0x0  }
0xb8: {  	[sflag:s7] =	ssyncadd.s32 $0xFFFFB1E0  }
0xb9: {  	[bflag:$0x0] =	sbarrier.arrive $0xFFFF  }
0xba: {  	s11 =	simm.s32 $0x10;
	s12 =	simm.s32 $0x8;
	s10 =	rddreg [dreg:$0xa]  }
0xbb: {  	[hbm:s10@s11], [sflag:s18] =	dma.strided [spmem:s19@s12], $0x1400, s25, $0x8   }
0xbc: {  	_ =	swait.ge [sflag:s16], $0x1400  }
0xbd: {  	[sflag:s16] =	ssyncset.done $0x0  }
0xbe: {  	[sflag:s16] =	ssyncadd.s32 $0xFFFFEC00  }
0xbf: {  	[tilespmem:s8], [sflag:$0x6] =	stream.linear.gather [spmem:s3], $0x2800, $0x38;
	[tilespmem:$0x1B620] =	vst v63  }
0xc0: {  	_ =	swait.ge [sflag:s16], $0x2800  }
0xc1: {  	[sflag:s16] =	ssyncset.done $0x0  }
0xc2: {  	s10 =	simm.s32 $0x0;
	s11 =	simm.s32 $0x40;
	[sflag:s16] =	ssyncadd.s32 $0xFFFFD800  }
.LBB2_9:
0xc3: {  	p1 =	sne.s32 s11, $0x9FC0;
	v2 =	vld [tilespmem:s10+$0xC490];
	_ =	sdelay $0x4  }
0xc4: {  	v2 =	vadd.f32 $9.999999960e-13, v2;
	_ =	sdelay $0x1  }
0xc5: {  	(erf) = vrcp.f32 v2;
	_ =	sdelay $0x5  }
.Ltmp4:
0xc6: {  	(pc) =	sbr.rel @p1 .LBB2_9-.Ltmp4, $3  }
0xc7: {  	_ =	sdelay $0x1  }
0xc8: {  	v2 =	vpop (erf)  }
0xc9: {  	[tilespmem:s10+$0xC490] =	vst v2;
	s10 =	sshra.s32 s11, $0x2;
	s11 =	sadd.s32 $0x40, s11  }
0xca: {  	v2 =	vld [tilespmem:s10+$0xC490];
	_ =	sdelay $0x4  }
0xcb: {  	v2 =	vadd.f32 $9.999999960e-13, v2;
	_ =	sdelay $0x1  }
0xcc: {  	(erf) = vrcp.f32 v2;
	_ =	sdelay $0x8  }
0xcd: {  	v2 =	vpop (erf)  }
0xce: {  	s11 =	rddreg [dreg:$0xb];
	[tilespmem:s10+$0xC490] =	vst v2;
	s10 =	simm.s32 @!p0 $0x0  }
0xcf: {  	[hbm4b:s11+s10] =	stream.linear.scatter @!p0 [tilespmem:s13], [sflag:$0x6], $0x280, $0x38;
	[tilespmem:$0x1B620] =	vst v63  }
0xd0: {  	s10 =	simm.s32 @!p0 $0x6  }
0xd1: {  	_ =	swait.ge @!p0 [sflag:s10], $0x280  }
0xd2: {  	[sflag:s10] =	ssyncset.done @!p0 $0x0  }
0xd3: {  	[sflag:s10] =	ssyncadd.s32 @!p0 $0xFFFFFD80;
	s10 =	simm.s32 $0x0  }
.LBB2_11:
0xd4: {  	s11 =	sshra.s32 s10, $0x2  }
0xd5: {  	v2 =	vld.idx.msk [tilespmem:v0+s11+$0xFFFFFFE0 ss:$0x1], $0xffff;
	_ =	sdelay $0x7  }
0xd6: {  	v2 =	vld.idx.msk [tilespmem:v2+s8+$0x0], $0xffff;
	_ =	sdelay $0x4  }
0xd7: {  	[tilespmem:s11+$0xEC90] =	vst v2  }
0xd8: {  	v2 =	vld.idx.msk [tilespmem:v0+s11+$0xFFFFFFF0 ss:$0x1], $0xffff;
	_ =	sdelay $0x7  }
0xd9: {  	v2 =	vld.idx.msk [tilespmem:v2+s8+$0x0], $0xffff;
	_ =	sdelay $0x4  }
0xda: {  	[tilespmem:s11+$0xECA0] =	vst v2  }
0xdb: {  	v2 =	vld.idx.msk [tilespmem:v0+s11+$0x0 ss:$0x1], $0xffff;
	_ =	sdelay $0x7  }
0xdc: {  	v2 =	vld.idx.msk [tilespmem:v2+s8+$0x0], $0xffff;
	_ =	sdelay $0x4  }
0xdd: {  	[tilespmem:s11+$0xECB0] =	vst v2  }
0xde: {  	v2 =	vld.idx.msk [tilespmem:v0+s11+$0x10 ss:$0x1], $0xffff;
	_ =	sdelay $0x7  }
0xdf: {  	v2 =	vld.idx.msk [tilespmem:v2+s8+$0x0], $0xffff;
	_ =	sdelay $0x4  }
0xe0: {  	[tilespmem:s11+$0xECC0] =	vst v2  }
0xe1: {  	v2 =	vld.idx.msk [tilespmem:v0+s11+$0x20 ss:$0x1], $0xffff;
	_ =	sdelay $0x7  }
0xe2: {  	p1 =	sne.s32 s10, $0x9B00;
	v2 =	vld.idx.msk [tilespmem:v2+s8+$0x0], $0xffff  }
.Ltmp5:
0xe3: {  	_ = 	snop;
	(pc) =	sbr.rel @p1 .LBB2_11-.Ltmp5, $2  }
0xe4: {  	_ =	sdelay $0x2  }
0xe5: {  	s10 =	sadd.s32 $0x140, s10;
	[tilespmem:s11+$0xECD0] =	vst v2  }
0xe6: {  	s9 =	sadd.s32 $0x1, s9  }
0xe7: {  	p1 =	sne.s32 s9, s15  }
.Ltmp6:
0xe8: {  	s10 =	simm.s32 $0xEC90;
	(pc) =	sbr.rel @p1 .LBB2_1-.Ltmp6, $4  }
0xe9: {  	[hbm4b:s14+s4] =	stream.linear.scatter [tilespmem:s10], [sflag:$0x6], $0x2710, $0x38;
	[tilespmem:$0x1B620] =	vst v63  }
0xea: {  	_ =	swait.ge [sflag:s16], $0x2710  }
0xeb: {  	[sflag:s16] =	ssyncset.done $0x0  }
0xec: {  	[sflag:s16] =	ssyncadd.s32 $0xFFFFD8F0  }
0xed: {  	_ =	sfence.sel $0x180000  }
0xee: {  	[bflag:$0x0] =	sbarrier.arrive $0xFFFF  }
0xef: {  	_ =	strace $0x90000047  }
0xf0: {  	s0 =	stileid.u32;
	[bflag:$0x2] =	sbarrier.arrive $0xFFFF  }
0xf1: {  	p0 =	sne.s32 s0, $0x0;
	s0 =	rddreg [dreg:$0x5]  }
0xf2: {  	s0 =	sadd.s32 @!p0 $0x100000, s0  }
0xf3: {  	[sflag:s0] =	ssyncadd.tile.s32 @!p0 $0x1;
	_ =	shalt  }
.Lfunc_end2:
_tile_overlayer_lowered:
.L_overlay_start_2:
0xf4: {  	(tag) =	ssettag $0x2  }
0xf5: {  	s0 =	rddreg [dreg:$0x0];
	s2 =	stileid.u32  }
0xf6: {  	s1 =	rddreg [dreg:$0x1];
	p0 =	sne.s32 s2, $0x0  }
0xf7: {  	s3 =	rddreg [dreg:$0x2];
	[bflag:$0x3] =	sbarrier.arrive $0xFFFF;
	s2 =	simm.s32 @!p0 $0x1C06  }
0xf8: {  	[timem:s3], [sflag:s2] =	dma.local @!p0 [hbm:s0], s1  }
0xf9: {  	s0 =	simm.s32 @!p0 $0x6  }
0xfa: {  	_ =	swait.ge @!p0 [sflag:s0], s1  }
0xfb: {  	s1 =	ssub.s32 @!p0 $0x0, s1;
	[sflag:s0] =	ssyncset.done @!p0 $0x0  }
0xfc: {  	[sflag:s0] =	ssyncadd.s32 @!p0 s1  }
0xfd: {  	[bflag:$0x3] =	sbarrier.arrive $0xFFFF  }
0xfe: {  	_ =	shalt  }

</sc_bundles>
